<compile_context>
chip_gen: v7x
topology: tpu7x:2x2x1
jax: 0.10.2.dev20260603
libtpu: 0.0.44.dev20260713+nightly
codegen_flags: <defaults>
</compile_context>

<pallas_src>
import functools

import jax
import jax.numpy as jnp
from jax import lax
from jax.experimental import pallas as pl
from jax.experimental.pallas import tpu as pltpu
from jax.experimental.pallas import tpu_sc as plsc

_G, _K, _DG = 2, 320, 128
_N = 8192
_TB = 2048
_STEPS = _N // _TB

_NW = 32
_ROWS_PER_W = (_N * _G) // _NW
_CH = 128
_NCH = _ROWS_PER_W // _CH


def _gumbel_tile(i, g):
    tt = lax.broadcasted_iota(jnp.uint32, (_TB, _K), 0)
    kk = lax.broadcasted_iota(jnp.uint32, (_TB, _K), 1)
    ks = (0, 42, 42 ^ 0x1BD11BDA)
    base = (i * (_TB * _G) + g) * _K + ks[1]
    x1 = tt * jnp.uint32(_G * _K) + kk + base.astype(jnp.uint32)

    rotations = ((13, 15, 26, 6), (17, 29, 16, 24))
    x0 = x1
    x1 = ((x1 << jnp.uint32(13)) | (x1 >> jnp.uint32(19))) ^ x1
    first = True
    for i_round in range(5):
        for r in rotations[i_round % 2]:
            if first:
                first = False
                continue
            x0 = x0 + x1
            x1 = (x1 << jnp.uint32(r)) | (x1 >> jnp.uint32(32 - r))
            x1 = x0 ^ x1
        c0 = ks[(i_round + 1) % 3]
        if c0:
            x0 = x0 + jnp.uint32(c0)
        x1 = x1 + jnp.uint32((ks[(i_round + 2) % 3] + i_round + 1) & 0xFFFFFFFF)
    bits = x0 ^ x1
    fl = lax.bitcast_convert_type(
        (bits >> jnp.uint32(9)) | jnp.uint32(0x3F800000), jnp.float32)
    u0 = fl - jnp.float32(1.0)
    u = jnp.maximum(jnp.float32(1e-20), u0 + jnp.float32(1e-20))
    return -jnp.log(-jnp.log(u))


def _tc_body(xr, w0r, w1r, b0r, b1r, idxr, p0r, p1r, pplr):
    i = pl.program_id(0)
    xb = xr[...].astype(jnp.bfloat16)
    iot = lax.broadcasted_iota(jnp.int32, (_TB, _K), 1)
    for g, (wr, br, pr) in enumerate(((w0r, b0r, p0r), (w1r, b1r, p1r))):
        logits = lax.dot_general(
            xb, wr[...].astype(jnp.bfloat16),
            (((1,), (1,)), ((), ())),
            preferred_element_type=jnp.float32)
        logits = logits + br[...]
        m = jnp.max(logits, axis=1, keepdims=True)
        e = jnp.exp(logits - m)
        soft = e * (1.0 / jnp.sum(e, axis=1, keepdims=True))
        colsum = jnp.sum(soft, axis=0, keepdims=True)

        @pl.when(i == 0)
        def _():
            pr[...] = colsum

        @pl.when(i > 0)
        def _():
            pr[...] += colsum

        noisy = logits + _gumbel_tile(i, g)
        mn = jnp.max(noisy, axis=1, keepdims=True)
        cand = jnp.where(noisy == mn, iot, _K)
        ids = jnp.min(cand, axis=1, keepdims=True)
        idxr[:, g:g + 1] = ids + g * _K

    @pl.when(i == _STEPS - 1)
    def _():
        inv_n = 1.0 / _N
        p0 = p0r[...] * inv_n
        p1 = p1r[...] * inv_n
        s0 = jnp.sum(p0 * jnp.log(p0 + 1e-7), axis=1, keepdims=True)
        s1 = jnp.sum(p1 * jnp.log(p1 + 1e-7), axis=1, keepdims=True)
        pplr[...] = jnp.exp(-s0) + jnp.exp(-s1)


_tc_call = pl.pallas_call(
    _tc_body,
    grid=(_STEPS,),
    in_specs=[
        pl.BlockSpec((_TB, 512), lambda i: (i, 0)),
        pl.BlockSpec((_K, 512), lambda i: (0, 0)),
        pl.BlockSpec((_K, 512), lambda i: (1, 0)),
        pl.BlockSpec((1, _K), lambda i: (0, 0)),
        pl.BlockSpec((1, _K), lambda i: (0, 0)),
    ],
    out_specs=[
        pl.BlockSpec((_TB, 2), lambda i: (i, 0)),
        pl.BlockSpec((1, _K), lambda i: (0, 0)),
        pl.BlockSpec((1, _K), lambda i: (0, 0)),
        pl.BlockSpec((1, 1), lambda i: (0, 0)),
    ],
    out_shape=[
        jax.ShapeDtypeStruct((_N, 2), jnp.int32),
        jax.ShapeDtypeStruct((1, _K), jnp.float32),
        jax.ShapeDtypeStruct((1, _K), jnp.float32),
        jax.ShapeDtypeStruct((1, 1), jnp.float32),
    ],
)


@functools.partial(
    pl.kernel,
    mesh=plsc.VectorSubcoreMesh(core_axis_name="c", subcore_axis_name="s"),
    out_type=jax.ShapeDtypeStruct((_N * _G, _DG), jnp.float32),
    scratch_types=[
        pltpu.VMEM((_NCH, _CH), jnp.int32),
        pltpu.VMEM((_ROWS_PER_W, _DG), jnp.float32),
        pltpu.SemaphoreType.DMA,
    ],
)
def _sc_gather(table_hbm, idx_hbm, out_hbm, idx_v, rows_v, sem):
    wid = lax.axis_index("c") * 16 + lax.axis_index("s")
    pltpu.sync_copy(idx_hbm.at[pl.ds(wid * _NCH, _NCH)], idx_v)
    copies = []
    for j in range(_NCH):
        cp = pltpu.make_async_copy(
            table_hbm.at[idx_v.at[j]],
            rows_v.at[pl.ds(j * _CH, _CH)],
            sem)
        cp.start()
        copies.append(cp)
    for cp in copies:
        cp.wait()
    pltpu.sync_copy(rows_v, out_hbm.at[pl.ds(wid * _ROWS_PER_W, _ROWS_PER_W)])


def kernel(x, codevectors, Wq, bq):
    b, s, h = x.shape
    xf = x.reshape(b * s, h)
    b0 = bq[:_K].reshape(1, _K)
    b1 = bq[_K:].reshape(1, _K)
    idx, _, _, ppl = _tc_call(xf, Wq, Wq, b0, b1)
    table = codevectors.reshape(_G * _K, _DG)
    sel = _sc_gather(table, idx.reshape(-1).reshape(_N * _G // _CH, _CH))
    selected = sel.reshape(b, s, _G * _DG)
    return selected, ppl[0, 0]

# --- scband reference (transcript-rebuilt; emitter-appended) ---
"""Pipeline reference for scband-gumbel-softmax-quantizer-64166811402863 (READ-ONLY COPY).

The authoritative reference and input builder live on the scoring server;
editing this copy changes nothing except your own understanding.
"""

import jax, jax.numpy as jnp
import numpy as np

B, S, H = 2, 4096, 512
G, K, D = 2, 320, 256
TAU = 2.0


def setup_inputs(seed: int = 0) -> dict:
    key = jax.random.key(seed)
    k1, k2, k3 = jax.random.split(key, 3)
    x = jax.random.normal(k1, (B, S, H), dtype=jnp.float32)
    # nn.Parameter(...uniform_()) -> U[0,1)
    codevectors = jax.random.uniform(k2, (1, G * K, D // G), dtype=jnp.float32)
    # q_proj: Linear(H -> G*K)
    Wq = jax.random.normal(k3, (G * K, H), dtype=jnp.float32) * (1.0 / np.sqrt(H))
    bq = jnp.zeros((G * K,), dtype=jnp.float32)
    return {"x": x, "codevectors": codevectors, "Wq": Wq, "bq": bq}


def _gumbel_softmax_hard(logits, tau, key):
    u = jax.random.uniform(key, logits.shape, minval=1e-20, maxval=1.0)
    g = -jnp.log(-jnp.log(u))
    y_soft = jax.nn.softmax((logits + g) / tau, axis=-1)
    idx = jnp.argmax(y_soft, axis=-1)
    y_hard = jax.nn.one_hot(idx, logits.shape[-1], dtype=logits.dtype)
    # straight-through estimator (matches torch gumbel_softmax(hard=True))
    return y_hard - jax.lax.stop_gradient(y_soft) + y_soft


def reference(x, codevectors, Wq, bq):
    b, s, h = x.shape
    logits = x @ Wq.T + bq  # [B, S, G*K]
    flat = logits.reshape(b * s * G, K)
    codevector_probs = _gumbel_softmax_hard(flat, TAU, jax.random.key(42))
    # perplexity from the plain softmax probs (training branch)
    soft = jax.nn.softmax(logits.reshape(b * s, G, K), axis=-1)
    p = soft.mean(axis=0)
    perplexity = jnp.exp(-jnp.sum(p * jnp.log(p + 1e-7), axis=-1)).sum()
    # selected_codes = (probs.unsqueeze(-1) * codevectors).reshape(N,G,K,D/G).sum(2)
    cv = codevectors.reshape(G, K, D // G)
    probs_g = codevector_probs.reshape(b * s, G, K)
    selected = jnp.einsum('ngk,gkd->ngd', probs_g, cv)
    selected = selected.reshape(b, s, G * (D // G))
    return selected, perplexity

if __name__ == "__main__":
    import jax
    _d = setup_inputs()
    print(jax.jit(kernel)(*tuple(_d.values())))

</pallas_src>

<mosaic_0001>
#map = affine_map<(d0, d1) -> (0, 0)>
module attributes {stable_mosaic.version = 14 : i64} {
  func.func @_sc_gather(%arg0: i32, %arg1: i32, %arg2: memref<640x128xf32, #tpu.memory_space<hbm>>, %arg3: memref<128x128xi32, #tpu.memory_space<hbm>>, %arg4: memref<16384x128xf32, #tpu.memory_space<hbm>>, %arg5: memref<4x128xi32, #tpu.memory_space<vmem>>, %arg6: memref<512x128xf32, #tpu.memory_space<vmem>>, %arg7: memref<!tpu.dma_semaphore, #tpu.memory_space<semaphore_mem>>) attributes {dimension_semantics = [#tpu.dimension_semantics<core_parallel>, #tpu.dimension_semantics<subcore_parallel>], iteration_bounds = array<i64: 2, 16>, scalar_prefetch = 0 : i64, scratch_operands = 3 : i64, tpu.core_type = #tpu.core_type<sc_vector_subcore>, window_params = [{transform_indices = #map}, {transform_indices = #map}, {transform_indices = #map}]} {
    %mul3A = arith.constant 16 : i32
    %mul3A_0 = arith.muli %arg0, %mul3A : i32
    %add3A = arith.addi %mul3A_0, %arg1 : i32
    %mul3A_1 = arith.constant 4 : i32
    %mul3A_2 = arith.muli %add3A, %mul3A_1 : i32
    "tpu.region"() ({
      %run_scoped3A = tpu.sem_alloc : memref<!tpu.dma_semaphore, #tpu.memory_space<semaphore_mem>>
      %dma_start3A_83 = arith.constant 0 : i32
      %dma_start3A_84 = tpu.memref_slice %arg3[%mul3A_2, %dma_start3A_83] : memref<128x128xi32, #tpu.memory_space<hbm>> -> memref<4x128xi32, #tpu.memory_space<hbm>>
      %dma_start3A_85 = arith.constant 0 : i32
      %dma_start3A_86 = tpu.memref_slice %arg3[%mul3A_2, %dma_start3A_85] : memref<128x128xi32, #tpu.memory_space<hbm>> -> memref<4x128xi32, #tpu.memory_space<hbm>>
      tpu.enqueue_dma source(%dma_start3A_86 : memref<4x128xi32, #tpu.memory_space<hbm>>) target(%arg5 : memref<4x128xi32, #tpu.memory_space<vmem>>) target_semaphore(%run_scoped3A : memref<!tpu.dma_semaphore, #tpu.memory_space<semaphore_mem>>)
      %dma_wait3A_87 = arith.constant 0 : i32
      %dma_wait3A_88 = tpu.memref_slice %arg3[%mul3A_2, %dma_wait3A_87] : memref<128x128xi32, #tpu.memory_space<hbm>> -> memref<4x128xi32, #tpu.memory_space<hbm>>
      %dma_wait3A_89 = arith.constant 0 : i32
      %dma_wait3A_90 = tpu.memref_slice %arg3[%mul3A_2, %dma_wait3A_89] : memref<128x128xi32, #tpu.memory_space<hbm>> -> memref<4x128xi32, #tpu.memory_space<hbm>>
      tpu.wait_dma2 semaphore(%run_scoped3A : memref<!tpu.dma_semaphore, #tpu.memory_space<semaphore_mem>>) src(%dma_wait3A_90 : memref<4x128xi32, #tpu.memory_space<hbm>>) dst(%arg5 : memref<4x128xi32, #tpu.memory_space<vmem>>)
      tpu.yield
    }) : () -> ()
    %dma_start3A = arith.constant 0 : i32
    %dma_start3A_3 = arith.constant 0 : i32
    %dma_start3A_4 = arith.constant 0 : i32
    %dma_start3A_5 = tpu.memref_slice %arg6[%dma_start3A_3, %dma_start3A_4] : memref<512x128xf32, #tpu.memory_space<vmem>> -> memref<128x128xf32, #tpu.memory_space<vmem>>
    %dma_start3A_6 = arith.constant 0 : i32
    %dma_start3A_7 = tpu.memref_slice %arg5[%dma_start3A, %dma_start3A_6] : memref<4x128xi32, #tpu.memory_space<vmem>> -> memref<1x128xi32, #tpu.memory_space<vmem>>
    %dma_start3A_8 = tpu.memref_squeeze %dma_start3A_7 : memref<1x128xi32, #tpu.memory_space<vmem>> -> memref<128xi32, #tpu.memory_space<vmem>>
    %dma_start3A_9 = arith.constant 0 : i32
    %dma_start3A_10 = arith.constant 0 : i32
    %dma_start3A_11 = tpu.memref_slice %arg2[%dma_start3A_9, %dma_start3A_10] : memref<640x128xf32, #tpu.memory_space<hbm>> -> memref<640x128xf32, #tpu.memory_space<hbm>>
    tpu.enqueue_indirect_dma source(%dma_start3A_11 : memref<640x128xf32, #tpu.memory_space<hbm>>) target(%dma_start3A_5 : memref<128x128xf32, #tpu.memory_space<vmem>>) offsets(%dma_start3A_8 : memref<128xi32, #tpu.memory_space<vmem>>) semaphore(%arg7 : memref<!tpu.dma_semaphore, #tpu.memory_space<semaphore_mem>>)
    %dma_start3A_12 = arith.constant 1 : i32
    %dma_start3A_13 = arith.constant 128 : i32
    %dma_start3A_14 = arith.constant 0 : i32
    %dma_start3A_15 = tpu.memref_slice %arg6[%dma_start3A_13, %dma_start3A_14] : memref<512x128xf32, #tpu.memory_space<vmem>> -> memref<128x128xf32, #tpu.memory_space<vmem>>
    %dma_start3A_16 = arith.constant 0 : i32
    %dma_start3A_17 = tpu.memref_slice %arg5[%dma_start3A_12, %dma_start3A_16] : memref<4x128xi32, #tpu.memory_space<vmem>> -> memref<1x128xi32, #tpu.memory_space<vmem>>
    %dma_start3A_18 = tpu.memref_squeeze %dma_start3A_17 : memref<1x128xi32, #tpu.memory_space<vmem>> -> memref<128xi32, #tpu.memory_space<vmem>>
    %dma_start3A_19 = arith.constant 0 : i32
    %dma_start3A_20 = arith.constant 0 : i32
    %dma_start3A_21 = tpu.memref_slice %arg2[%dma_start3A_19, %dma_start3A_20] : memref<640x128xf32, #tpu.memory_space<hbm>> -> memref<640x128xf32, #tpu.memory_space<hbm>>
    tpu.enqueue_indirect_dma source(%dma_start3A_21 : memref<640x128xf32, #tpu.memory_space<hbm>>) target(%dma_start3A_15 : memref<128x128xf32, #tpu.memory_space<vmem>>) offsets(%dma_start3A_18 : memref<128xi32, #tpu.memory_space<vmem>>) semaphore(%arg7 : memref<!tpu.dma_semaphore, #tpu.memory_space<semaphore_mem>>)
    %dma_start3A_22 = arith.constant 2 : i32
    %dma_start3A_23 = arith.constant 256 : i32
    %dma_start3A_24 = arith.constant 0 : i32
    %dma_start3A_25 = tpu.memref_slice %arg6[%dma_start3A_23, %dma_start3A_24] : memref<512x128xf32, #tpu.memory_space<vmem>> -> memref<128x128xf32, #tpu.memory_space<vmem>>
    %dma_start3A_26 = arith.constant 0 : i32
    %dma_start3A_27 = tpu.memref_slice %arg5[%dma_start3A_22, %dma_start3A_26] : memref<4x128xi32, #tpu.memory_space<vmem>> -> memref<1x128xi32, #tpu.memory_space<vmem>>
    %dma_start3A_28 = tpu.memref_squeeze %dma_start3A_27 : memref<1x128xi32, #tpu.memory_space<vmem>> -> memref<128xi32, #tpu.memory_space<vmem>>
    %dma_start3A_29 = arith.constant 0 : i32
    %dma_start3A_30 = arith.constant 0 : i32
    %dma_start3A_31 = tpu.memref_slice %arg2[%dma_start3A_29, %dma_start3A_30] : memref<640x128xf32, #tpu.memory_space<hbm>> -> memref<640x128xf32, #tpu.memory_space<hbm>>
    tpu.enqueue_indirect_dma source(%dma_start3A_31 : memref<640x128xf32, #tpu.memory_space<hbm>>) target(%dma_start3A_25 : memref<128x128xf32, #tpu.memory_space<vmem>>) offsets(%dma_start3A_28 : memref<128xi32, #tpu.memory_space<vmem>>) semaphore(%arg7 : memref<!tpu.dma_semaphore, #tpu.memory_space<semaphore_mem>>)
    %dma_start3A_32 = arith.constant 3 : i32
    %dma_start3A_33 = arith.constant 384 : i32
    %dma_start3A_34 = arith.constant 0 : i32
    %dma_start3A_35 = tpu.memref_slice %arg6[%dma_start3A_33, %dma_start3A_34] : memref<512x128xf32, #tpu.memory_space<vmem>> -> memref<128x128xf32, #tpu.memory_space<vmem>>
    %dma_start3A_36 = arith.constant 0 : i32
    %dma_start3A_37 = tpu.memref_slice %arg5[%dma_start3A_32, %dma_start3A_36] : memref<4x128xi32, #tpu.memory_space<vmem>> -> memref<1x128xi32, #tpu.memory_space<vmem>>
    %dma_start3A_38 = tpu.memref_squeeze %dma_start3A_37 : memref<1x128xi32, #tpu.memory_space<vmem>> -> memref<128xi32, #tpu.memory_space<vmem>>
    %dma_start3A_39 = arith.constant 0 : i32
    %dma_start3A_40 = arith.constant 0 : i32
    %dma_start3A_41 = tpu.memref_slice %arg2[%dma_start3A_39, %dma_start3A_40] : memref<640x128xf32, #tpu.memory_space<hbm>> -> memref<640x128xf32, #tpu.memory_space<hbm>>
    tpu.enqueue_indirect_dma source(%dma_start3A_41 : memref<640x128xf32, #tpu.memory_space<hbm>>) target(%dma_start3A_35 : memref<128x128xf32, #tpu.memory_space<vmem>>) offsets(%dma_start3A_38 : memref<128xi32, #tpu.memory_space<vmem>>) semaphore(%arg7 : memref<!tpu.dma_semaphore, #tpu.memory_space<semaphore_mem>>)
    %dma_wait3A = arith.constant 0 : i32
    %dma_wait3A_42 = arith.constant 0 : i32
    %dma_wait3A_43 = arith.constant 0 : i32
    %dma_wait3A_44 = tpu.memref_slice %arg6[%dma_wait3A_42, %dma_wait3A_43] : memref<512x128xf32, #tpu.memory_space<vmem>> -> memref<128x128xf32, #tpu.memory_space<vmem>>
    %dma_wait3A_45 = arith.constant 0 : i32
    %dma_wait3A_46 = tpu.memref_slice %arg5[%dma_wait3A, %dma_wait3A_45] : memref<4x128xi32, #tpu.memory_space<vmem>> -> memref<1x128xi32, #tpu.memory_space<vmem>>
    %dma_wait3A_47 = tpu.memref_squeeze %dma_wait3A_46 : memref<1x128xi32, #tpu.memory_space<vmem>> -> memref<128xi32, #tpu.memory_space<vmem>>
    %dma_wait3A_48 = arith.constant 0 : i32
    %dma_wait3A_49 = arith.constant 0 : i32
    %dma_wait3A_50 = tpu.memref_slice %arg2[%dma_wait3A_48, %dma_wait3A_49] : memref<640x128xf32, #tpu.memory_space<hbm>> -> memref<640x128xf32, #tpu.memory_space<hbm>>
    tpu.wait_indirect_dma semaphore(%arg7 : memref<!tpu.dma_semaphore, #tpu.memory_space<semaphore_mem>>) src(%dma_wait3A_50 : memref<640x128xf32, #tpu.memory_space<hbm>>) dst(%dma_wait3A_44 : memref<128x128xf32, #tpu.memory_space<vmem>>)
    %dma_wait3A_51 = arith.constant 1 : i32
    %dma_wait3A_52 = arith.constant 128 : i32
    %dma_wait3A_53 = arith.constant 0 : i32
    %dma_wait3A_54 = tpu.memref_slice %arg6[%dma_wait3A_52, %dma_wait3A_53] : memref<512x128xf32, #tpu.memory_space<vmem>> -> memref<128x128xf32, #tpu.memory_space<vmem>>
    %dma_wait3A_55 = arith.constant 0 : i32
    %dma_wait3A_56 = tpu.memref_slice %arg5[%dma_wait3A_51, %dma_wait3A_55] : memref<4x128xi32, #tpu.memory_space<vmem>> -> memref<1x128xi32, #tpu.memory_space<vmem>>
    %dma_wait3A_57 = tpu.memref_squeeze %dma_wait3A_56 : memref<1x128xi32, #tpu.memory_space<vmem>> -> memref<128xi32, #tpu.memory_space<vmem>>
    %dma_wait3A_58 = arith.constant 0 : i32
    %dma_wait3A_59 = arith.constant 0 : i32
    %dma_wait3A_60 = tpu.memref_slice %arg2[%dma_wait3A_58, %dma_wait3A_59] : memref<640x128xf32, #tpu.memory_space<hbm>> -> memref<640x128xf32, #tpu.memory_space<hbm>>
    tpu.wait_indirect_dma semaphore(%arg7 : memref<!tpu.dma_semaphore, #tpu.memory_space<semaphore_mem>>) src(%dma_wait3A_60 : memref<640x128xf32, #tpu.memory_space<hbm>>) dst(%dma_wait3A_54 : memref<128x128xf32, #tpu.memory_space<vmem>>)
    %dma_wait3A_61 = arith.constant 2 : i32
    %dma_wait3A_62 = arith.constant 256 : i32
    %dma_wait3A_63 = arith.constant 0 : i32
    %dma_wait3A_64 = tpu.memref_slice %arg6[%dma_wait3A_62, %dma_wait3A_63] : memref<512x128xf32, #tpu.memory_space<vmem>> -> memref<128x128xf32, #tpu.memory_space<vmem>>
    %dma_wait3A_65 = arith.constant 0 : i32
    %dma_wait3A_66 = tpu.memref_slice %arg5[%dma_wait3A_61, %dma_wait3A_65] : memref<4x128xi32, #tpu.memory_space<vmem>> -> memref<1x128xi32, #tpu.memory_space<vmem>>
    %dma_wait3A_67 = tpu.memref_squeeze %dma_wait3A_66 : memref<1x128xi32, #tpu.memory_space<vmem>> -> memref<128xi32, #tpu.memory_space<vmem>>
    %dma_wait3A_68 = arith.constant 0 : i32
    %dma_wait3A_69 = arith.constant 0 : i32
    %dma_wait3A_70 = tpu.memref_slice %arg2[%dma_wait3A_68, %dma_wait3A_69] : memref<640x128xf32, #tpu.memory_space<hbm>> -> memref<640x128xf32, #tpu.memory_space<hbm>>
    tpu.wait_indirect_dma semaphore(%arg7 : memref<!tpu.dma_semaphore, #tpu.memory_space<semaphore_mem>>) src(%dma_wait3A_70 : memref<640x128xf32, #tpu.memory_space<hbm>>) dst(%dma_wait3A_64 : memref<128x128xf32, #tpu.memory_space<vmem>>)
    %dma_wait3A_71 = arith.constant 3 : i32
    %dma_wait3A_72 = arith.constant 384 : i32
    %dma_wait3A_73 = arith.constant 0 : i32
    %dma_wait3A_74 = tpu.memref_slice %arg6[%dma_wait3A_72, %dma_wait3A_73] : memref<512x128xf32, #tpu.memory_space<vmem>> -> memref<128x128xf32, #tpu.memory_space<vmem>>
    %dma_wait3A_75 = arith.constant 0 : i32
    %dma_wait3A_76 = tpu.memref_slice %arg5[%dma_wait3A_71, %dma_wait3A_75] : memref<4x128xi32, #tpu.memory_space<vmem>> -> memref<1x128xi32, #tpu.memory_space<vmem>>
    %dma_wait3A_77 = tpu.memref_squeeze %dma_wait3A_76 : memref<1x128xi32, #tpu.memory_space<vmem>> -> memref<128xi32, #tpu.memory_space<vmem>>
    %dma_wait3A_78 = arith.constant 0 : i32
    %dma_wait3A_79 = arith.constant 0 : i32
    %dma_wait3A_80 = tpu.memref_slice %arg2[%dma_wait3A_78, %dma_wait3A_79] : memref<640x128xf32, #tpu.memory_space<hbm>> -> memref<640x128xf32, #tpu.memory_space<hbm>>
    tpu.wait_indirect_dma semaphore(%arg7 : memref<!tpu.dma_semaphore, #tpu.memory_space<semaphore_mem>>) src(%dma_wait3A_80 : memref<640x128xf32, #tpu.memory_space<hbm>>) dst(%dma_wait3A_74 : memref<128x128xf32, #tpu.memory_space<vmem>>)
    %mul3A_81 = arith.constant 512 : i32
    %mul3A_82 = arith.muli %add3A, %mul3A_81 : i32
    "tpu.region"() ({
      %run_scoped3A = tpu.sem_alloc : memref<!tpu.dma_semaphore, #tpu.memory_space<semaphore_mem>>
      %dma_start3A_83 = arith.constant 0 : i32
      %dma_start3A_84 = tpu.memref_slice %arg4[%mul3A_82, %dma_start3A_83] : memref<16384x128xf32, #tpu.memory_space<hbm>> -> memref<512x128xf32, #tpu.memory_space<hbm>>
      %dma_start3A_85 = arith.constant 0 : i32
      %dma_start3A_86 = tpu.memref_slice %arg4[%mul3A_82, %dma_start3A_85] : memref<16384x128xf32, #tpu.memory_space<hbm>> -> memref<512x128xf32, #tpu.memory_space<hbm>>
      tpu.enqueue_dma source(%arg6 : memref<512x128xf32, #tpu.memory_space<vmem>>) target(%dma_start3A_86 : memref<512x128xf32, #tpu.memory_space<hbm>>) target_semaphore(%run_scoped3A : memref<!tpu.dma_semaphore, #tpu.memory_space<semaphore_mem>>)
      %dma_wait3A_87 = arith.constant 0 : i32
      %dma_wait3A_88 = tpu.memref_slice %arg4[%mul3A_82, %dma_wait3A_87] : memref<16384x128xf32, #tpu.memory_space<hbm>> -> memref<512x128xf32, #tpu.memory_space<hbm>>
      %dma_wait3A_89 = arith.constant 0 : i32
      %dma_wait3A_90 = tpu.memref_slice %arg4[%mul3A_82, %dma_wait3A_89] : memref<16384x128xf32, #tpu.memory_space<hbm>> -> memref<512x128xf32, #tpu.memory_space<hbm>>
      tpu.wait_dma2 semaphore(%run_scoped3A : memref<!tpu.dma_semaphore, #tpu.memory_space<semaphore_mem>>) src(%arg6 : memref<512x128xf32, #tpu.memory_space<vmem>>) dst(%dma_wait3A_90 : memref<512x128xf32, #tpu.memory_space<hbm>>)
      tpu.yield
    }) : () -> ()
    return
  }
}

module attributes {stable_mosaic.version = 14 : i64} {
  func.func @_tc_body(%arg0: i32, %arg1: memref<2048x512xf32, #tpu.memory_space<vmem>>, %arg2: memref<320x512xf32, #tpu.memory_space<vmem>>, %arg3: memref<320x512xf32, #tpu.memory_space<vmem>>, %arg4: memref<1x320xf32, #tpu.memory_space<vmem>>, %arg5: memref<1x320xf32, #tpu.memory_space<vmem>>, %arg6: memref<2048x2xi32, #tpu.memory_space<vmem>>, %arg7: memref<1x320xf32, #tpu.memory_space<vmem>>, %arg8: memref<1x320xf32, #tpu.memory_space<vmem>>, %arg9: memref<1x1xf32, #tpu.memory_space<vmem>>) attributes {dimension_semantics = [#tpu.dimension_semantics<arbitrary>], iteration_bounds = array<i64: 4>, scalar_prefetch = 0 : i64, scratch_operands = 0 : i64, tpu.core_type = #tpu.core_type<tc>, window_params = [{transform_indices = @transform_0, window_bounds = array<i64: 2048, 512>}, {transform_indices = @transform_1, window_bounds = array<i64: 320, 512>}, {transform_indices = @transform_2, window_bounds = array<i64: 320, 512>}, {pipeline_mode = #tpu.pipeline_mode<synchronous>, transform_indices = @transform_3, window_bounds = array<i64: 1, 320>}, {pipeline_mode = #tpu.pipeline_mode<synchronous>, transform_indices = @transform_4, window_bounds = array<i64: 1, 320>}, {transform_indices = @transform_5, window_bounds = array<i64: 2048, 2>}, {pipeline_mode = #tpu.pipeline_mode<synchronous>, transform_indices = @transform_6, window_bounds = array<i64: 1, 320>}, {pipeline_mode = #tpu.pipeline_mode<synchronous>, transform_indices = @transform_7, window_bounds = array<i64: 1, 320>}, {pipeline_mode = #tpu.pipeline_mode<synchronous>, transform_indices = @transform_8, window_bounds = array<i64: 1, 1>}]} {
    %get3A = arith.constant 0 : index
    %get3A_0 = arith.constant 0 : index
    %get3A_1 = vector.load %arg1[%get3A, %get3A_0] : memref<2048x512xf32, #tpu.memory_space<vmem>>, vector<2048x512xf32>
    %convert_element_type3A = arith.truncf %get3A_1 : vector<2048x512xf32> to vector<2048x512xbf16>
    %iota3A = tpu.iota {dimensions = array<i32: 1>} : vector<2048x320xi32>
    %get3A_2 = arith.constant 0 : index
    %get3A_3 = arith.constant 0 : index
    %get3A_4 = vector.load %arg2[%get3A_2, %get3A_3] : memref<320x512xf32, #tpu.memory_space<vmem>>, vector<320x512xf32>
    %convert_element_type3A_5 = arith.truncf %get3A_4 : vector<320x512xf32> to vector<320x512xbf16>
    %dot_general3A = arith.constant dense<0.000000e+00> : vector<2048x320xf32>
    %dot_general3A_6 = tpu.matmul %convert_element_type3A, %convert_element_type3A_5, %dot_general3A {dimension_numbers = #tpu.dot_dimension_numbers<[1], [1], [0], [0], [0, 0, 1, 0], [], []>, transpose_lhs_hint = false} : vector<2048x512xbf16>, vector<320x512xbf16>, vector<2048x320xf32> -> vector<2048x320xf32>
    %get3A_7 = arith.constant 0 : index
    %get3A_8 = arith.constant 0 : index
    %get3A_9 = vector.load %arg4[%get3A_7, %get3A_8] : memref<1x320xf32, #tpu.memory_space<vmem>>, vector<1x320xf32>
    %add3A = vector.broadcast %get3A_9 : vector<1x320xf32> to vector<2048x320xf32>
    %add3A_10 = arith.addf %dot_general3A_6, %add3A : vector<2048x320xf32>
    %reduce_max3A = arith.constant dense<0xFF800000> : vector<2048xf32>
    %reduce_max3A_11 = vector.multi_reduction <maximumf>, %add3A_10, %reduce_max3A [1] : vector<2048x320xf32> to vector<2048xf32>
    %broadcast_in_dim3A = vector.shape_cast %reduce_max3A_11 : vector<2048xf32> to vector<2048x1xf32>
    %sub3A = vector.broadcast %broadcast_in_dim3A : vector<2048x1xf32> to vector<2048x320xf32>
    %sub3A_12 = arith.subf %add3A_10, %sub3A : vector<2048x320xf32>
    %exp3A = math.exp %sub3A_12 : vector<2048x320xf32>
    %reduce_sum3A = arith.constant dense<0.000000e+00> : vector<2048xf32>
    %reduce_sum3A_13 = vector.multi_reduction <add>, %exp3A, %reduce_sum3A [1] : vector<2048x320xf32> to vector<2048xf32>
    %broadcast_in_dim3A_14 = vector.shape_cast %reduce_sum3A_13 : vector<2048xf32> to vector<2048x1xf32>
    %div3A = arith.constant 1.000000e+00 : f32
    %div3A_15 = vector.broadcast %div3A : f32 to vector<2048x1xf32>
    %div3A_16 = arith.divf %div3A_15, %broadcast_in_dim3A_14 : vector<2048x1xf32>
    %mul3A = vector.broadcast %div3A_16 : vector<2048x1xf32> to vector<2048x320xf32>
    %mul3A_17 = arith.mulf %exp3A, %mul3A : vector<2048x320xf32>
    %reduce_sum3A_18 = arith.constant dense<0.000000e+00> : vector<320xf32>
    %reduce_sum3A_19 = vector.multi_reduction <add>, %mul3A_17, %reduce_sum3A_18 [0] : vector<2048x320xf32> to vector<320xf32>
    %broadcast_in_dim3A_20 = vector.shape_cast %reduce_sum3A_19 : vector<320xf32> to vector<1x320xf32>
    %eq3A = arith.constant 0 : i32
    %eq3A_21 = arith.cmpi eq, %arg0, %eq3A : i32
    %convert_element_type3A_22 = arith.extui %eq3A_21 : i1 to i32
    %cond3A = arith.constant 0 : i32
    %cond3A_23 = arith.cmpi ne, %convert_element_type3A_22, %cond3A : i32
    scf.if %cond3A_23 {
      %swap3A_589 = arith.constant 0 : index
      %swap3A_590 = arith.constant 0 : index
      %swap3A_591 = vector.load %arg7[%swap3A_589, %swap3A_590] : memref<1x320xf32, #tpu.memory_space<vmem>>, vector<1x320xf32>
      tpu.vector_store %arg7[%swap3A_589, %swap3A_590], %broadcast_in_dim3A_20 {strides = array<i32>} : memref<1x320xf32, #tpu.memory_space<vmem>>, vector<1x320xf32>,
    } else {
    }
    %gt3A = arith.constant 0 : i32
    %gt3A_24 = arith.cmpi sgt, %arg0, %gt3A : i32
    %convert_element_type3A_25 = arith.extui %gt3A_24 : i1 to i32
    %cond3A_26 = arith.constant 0 : i32
    %cond3A_27 = arith.cmpi ne, %convert_element_type3A_25, %cond3A_26 : i32
    scf.if %cond3A_27 {
      %get3A_589 = arith.constant 0 : index
      %get3A_590 = arith.constant 0 : index
      %get3A_591 = vector.load %arg7[%get3A_589, %get3A_590] : memref<1x320xf32, #tpu.memory_space<vmem>>, vector<1x320xf32>
      %add3A_592 = arith.addf %get3A_591, %broadcast_in_dim3A_20 : vector<1x320xf32>
      %swap3A_593 = arith.constant 0 : index
      %swap3A_594 = arith.constant 0 : index
      %swap3A_595 = vector.load %arg7[%swap3A_593, %swap3A_594] : memref<1x320xf32, #tpu.memory_space<vmem>>, vector<1x320xf32>
      tpu.vector_store %arg7[%swap3A_593, %swap3A_594], %add3A_592 {strides = array<i32>} : memref<1x320xf32, #tpu.memory_space<vmem>>, vector<1x320xf32>,
    } else {
    }
    %iota3A_28 = tpu.iota {dimensions = array<i32: 0>} : vector<2048x320xi32>
    %iota3A_29 = tpu.iota {dimensions = array<i32: 1>} : vector<2048x320xi32>
    %mul3A_30 = arith.constant 4096 : i32
    %mul3A_31 = arith.muli %arg0, %mul3A_30 : i32
    %add3A_32 = arith.constant 0 : i32
    %add3A_33 = arith.addi %mul3A_31, %add3A_32 : i32
    %mul3A_34 = arith.constant 320 : i32
    %mul3A_35 = arith.muli %add3A_33, %mul3A_34 : i32
    %add3A_36 = arith.constant 42 : i32
    %add3A_37 = arith.addi %mul3A_35, %add3A_36 : i32
    %mul3A_38 = arith.constant 640 : i32
    %mul3A_39 = vector.broadcast %mul3A_38 : i32 to vector<2048x320xi32>
    %mul3A_40 = arith.muli %iota3A_28, %mul3A_39 : vector<2048x320xi32>
    %add3A_41 = arith.addi %mul3A_40, %iota3A_29 : vector<2048x320xi32>
    %add3A_42 = vector.broadcast %add3A_37 : i32 to vector<2048x320xi32>
    %add3A_43 = arith.addi %add3A_41, %add3A_42 : vector<2048x320xi32>
    %shift_left3A = arith.constant 13 : i32
    %shift_left3A_44 = vector.broadcast %shift_left3A : i32 to vector<2048x320xi32>
    %shift_left3A_45 = arith.shli %add3A_43, %shift_left3A_44 : vector<2048x320xi32>
    %shift_right_logical3A = arith.constant 19 : i32
    %shift_right_logical3A_46 = vector.broadcast %shift_right_logical3A : i32 to vector<2048x320xi32>
    %shift_right_logical3A_47 = arith.shrui %add3A_43, %shift_right_logical3A_46 : vector<2048x320xi32>
    %or3A = arith.ori %shift_left3A_45, %shift_right_logical3A_47 : vector<2048x320xi32>
    %xor3A = arith.xori %or3A, %add3A_43 : vector<2048x320xi32>
    %add3A_48 = arith.addi %add3A_43, %xor3A : vector<2048x320xi32>
    %shift_left3A_49 = arith.constant 15 : i32
    %shift_left3A_50 = vector.broadcast %shift_left3A_49 : i32 to vector<2048x320xi32>
    %shift_left3A_51 = arith.shli %xor3A, %shift_left3A_50 : vector<2048x320xi32>
    %shift_right_logical3A_52 = arith.constant 17 : i32
    %shift_right_logical3A_53 = vector.broadcast %shift_right_logical3A_52 : i32 to vector<2048x320xi32>
    %shift_right_logical3A_54 = arith.shrui %xor3A, %shift_right_logical3A_53 : vector<2048x320xi32>
    %or3A_55 = arith.ori %shift_left3A_51, %shift_right_logical3A_54 : vector<2048x320xi32>
    %xor3A_56 = arith.xori %add3A_48, %or3A_55 : vector<2048x320xi32>
    %add3A_57 = arith.addi %add3A_48, %xor3A_56 : vector<2048x320xi32>
    %shift_left3A_58 = arith.constant 26 : i32
    %shift_left3A_59 = vector.broadcast %shift_left3A_58 : i32 to vector<2048x320xi32>
    %shift_left3A_60 = arith.shli %xor3A_56, %shift_left3A_59 : vector<2048x320xi32>
    %shift_right_logical3A_61 = arith.constant 6 : i32
    %shift_right_logical3A_62 = vector.broadcast %shift_right_logical3A_61 : i32 to vector<2048x320xi32>
    %shift_right_logical3A_63 = arith.shrui %xor3A_56, %shift_right_logical3A_62 : vector<2048x320xi32>
    %or3A_64 = arith.ori %shift_left3A_60, %shift_right_logical3A_63 : vector<2048x320xi32>
    %xor3A_65 = arith.xori %add3A_57, %or3A_64 : vector<2048x320xi32>
    %add3A_66 = arith.addi %add3A_57, %xor3A_65 : vector<2048x320xi32>
    %shift_left3A_67 = arith.constant 6 : i32
    %shift_left3A_68 = vector.broadcast %shift_left3A_67 : i32 to vector<2048x320xi32>
    %shift_left3A_69 = arith.shli %xor3A_65, %shift_left3A_68 : vector<2048x320xi32>
    %shift_right_logical3A_70 = arith.constant 26 : i32
    %shift_right_logical3A_71 = vector.broadcast %shift_right_logical3A_70 : i32 to vector<2048x320xi32>
    %shift_right_logical3A_72 = arith.shrui %xor3A_65, %shift_right_logical3A_71 : vector<2048x320xi32>
    %or3A_73 = arith.ori %shift_left3A_69, %shift_right_logical3A_72 : vector<2048x320xi32>
    %xor3A_74 = arith.xori %add3A_66, %or3A_73 : vector<2048x320xi32>
    %add3A_75 = arith.constant 42 : i32
    %add3A_76 = vector.broadcast %add3A_75 : i32 to vector<2048x320xi32>
    %add3A_77 = arith.addi %add3A_66, %add3A_76 : vector<2048x320xi32>
    %add3A_78 = arith.constant 466689009 : i32
    %add3A_79 = vector.broadcast %add3A_78 : i32 to vector<2048x320xi32>
    %add3A_80 = arith.addi %xor3A_74, %add3A_79 : vector<2048x320xi32>
    %add3A_81 = arith.addi %add3A_77, %add3A_80 : vector<2048x320xi32>
    %shift_left3A_82 = arith.constant 17 : i32
    %shift_left3A_83 = vector.broadcast %shift_left3A_82 : i32 to vector<2048x320xi32>
    %shift_left3A_84 = arith.shli %add3A_80, %shift_left3A_83 : vector<2048x320xi32>
    %shift_right_logical3A_85 = arith.constant 15 : i32
    %shift_right_logical3A_86 = vector.broadcast %shift_right_logical3A_85 : i32 to vector<2048x320xi32>
    %shift_right_logical3A_87 = arith.shrui %add3A_80, %shift_right_logical3A_86 : vector<2048x320xi32>
    %or3A_88 = arith.ori %shift_left3A_84, %shift_right_logical3A_87 : vector<2048x320xi32>
    %xor3A_89 = arith.xori %add3A_81, %or3A_88 : vector<2048x320xi32>
    %add3A_90 = arith.addi %add3A_81, %xor3A_89 : vector<2048x320xi32>
    %shift_left3A_91 = arith.constant 29 : i32
    %shift_left3A_92 = vector.broadcast %shift_left3A_91 : i32 to vector<2048x320xi32>
    %shift_left3A_93 = arith.shli %xor3A_89, %shift_left3A_92 : vector<2048x320xi32>
    %shift_right_logical3A_94 = arith.constant 3 : i32
    %shift_right_logical3A_95 = vector.broadcast %shift_right_logical3A_94 : i32 to vector<2048x320xi32>
    %shift_right_logical3A_96 = arith.shrui %xor3A_89, %shift_right_logical3A_95 : vector<2048x320xi32>
    %or3A_97 = arith.ori %shift_left3A_93, %shift_right_logical3A_96 : vector<2048x320xi32>
    %xor3A_98 = arith.xori %add3A_90, %or3A_97 : vector<2048x320xi32>
    %add3A_99 = arith.addi %add3A_90, %xor3A_98 : vector<2048x320xi32>
    %shift_left3A_100 = arith.constant 16 : i32
    %shift_left3A_101 = vector.broadcast %shift_left3A_100 : i32 to vector<2048x320xi32>
    %shift_left3A_102 = arith.shli %xor3A_98, %shift_left3A_101 : vector<2048x320xi32>
    %shift_right_logical3A_103 = arith.constant 16 : i32
    %shift_right_logical3A_104 = vector.broadcast %shift_right_logical3A_103 : i32 to vector<2048x320xi32>
    %shift_right_logical3A_105 = arith.shrui %xor3A_98, %shift_right_logical3A_104 : vector<2048x320xi32>
    %or3A_106 = arith.ori %shift_left3A_102, %shift_right_logical3A_105 : vector<2048x320xi32>
    %xor3A_107 = arith.xori %add3A_99, %or3A_106 : vector<2048x320xi32>
    %add3A_108 = arith.addi %add3A_99, %xor3A_107 : vector<2048x320xi32>
    %shift_left3A_109 = arith.constant 24 : i32
    %shift_left3A_110 = vector.broadcast %shift_left3A_109 : i32 to vector<2048x320xi32>
    %shift_left3A_111 = arith.shli %xor3A_107, %shift_left3A_110 : vector<2048x320xi32>
    %shift_right_logical3A_112 = arith.constant 8 : i32
    %shift_right_logical3A_113 = vector.broadcast %shift_right_logical3A_112 : i32 to vector<2048x320xi32>
    %shift_right_logical3A_114 = arith.shrui %xor3A_107, %shift_right_logical3A_113 : vector<2048x320xi32>
    %or3A_115 = arith.ori %shift_left3A_111, %shift_right_logical3A_114 : vector<2048x320xi32>
    %xor3A_116 = arith.xori %add3A_108, %or3A_115 : vector<2048x320xi32>
    %add3A_117 = arith.constant 466689008 : i32
    %add3A_118 = vector.broadcast %add3A_117 : i32 to vector<2048x320xi32>
    %add3A_119 = arith.addi %add3A_108, %add3A_118 : vector<2048x320xi32>
    %add3A_120 = arith.constant 2 : i32
    %add3A_121 = vector.broadcast %add3A_120 : i32 to vector<2048x320xi32>
    %add3A_122 = arith.addi %xor3A_116, %add3A_121 : vector<2048x320xi32>
    %add3A_123 = arith.addi %add3A_119, %add3A_122 : vector<2048x320xi32>
    %shift_left3A_124 = arith.constant 13 : i32
    %shift_left3A_125 = vector.broadcast %shift_left3A_124 : i32 to vector<2048x320xi32>
    %shift_left3A_126 = arith.shli %add3A_122, %shift_left3A_125 : vector<2048x320xi32>
    %shift_right_logical3A_127 = arith.constant 19 : i32
    %shift_right_logical3A_128 = vector.broadcast %shift_right_logical3A_127 : i32 to vector<2048x320xi32>
    %shift_right_logical3A_129 = arith.shrui %add3A_122, %shift_right_logical3A_128 : vector<2048x320xi32>
    %or3A_130 = arith.ori %shift_left3A_126, %shift_right_logical3A_129 : vector<2048x320xi32>
    %xor3A_131 = arith.xori %add3A_123, %or3A_130 : vector<2048x320xi32>
    %add3A_132 = arith.addi %add3A_123, %xor3A_131 : vector<2048x320xi32>
    %shift_left3A_133 = arith.constant 15 : i32
    %shift_left3A_134 = vector.broadcast %shift_left3A_133 : i32 to vector<2048x320xi32>
    %shift_left3A_135 = arith.shli %xor3A_131, %shift_left3A_134 : vector<2048x320xi32>
    %shift_right_logical3A_136 = arith.constant 17 : i32
    %shift_right_logical3A_137 = vector.broadcast %shift_right_logical3A_136 : i32 to vector<2048x320xi32>
    %shift_right_logical3A_138 = arith.shrui %xor3A_131, %shift_right_logical3A_137 : vector<2048x320xi32>
    %or3A_139 = arith.ori %shift_left3A_135, %shift_right_logical3A_138 : vector<2048x320xi32>
    %xor3A_140 = arith.xori %add3A_132, %or3A_139 : vector<2048x320xi32>
    %add3A_141 = arith.addi %add3A_132, %xor3A_140 : vector<2048x320xi32>
    %shift_left3A_142 = arith.constant 26 : i32
    %shift_left3A_143 = vector.broadcast %shift_left3A_142 : i32 to vector<2048x320xi32>
    %shift_left3A_144 = arith.shli %xor3A_140, %shift_left3A_143 : vector<2048x320xi32>
    %shift_right_logical3A_145 = arith.constant 6 : i32
    %shift_right_logical3A_146 = vector.broadcast %shift_right_logical3A_145 : i32 to vector<2048x320xi32>
    %shift_right_logical3A_147 = arith.shrui %xor3A_140, %shift_right_logical3A_146 : vector<2048x320xi32>
    %or3A_148 = arith.ori %shift_left3A_144, %shift_right_logical3A_147 : vector<2048x320xi32>
    %xor3A_149 = arith.xori %add3A_141, %or3A_148 : vector<2048x320xi32>
    %add3A_150 = arith.addi %add3A_141, %xor3A_149 : vector<2048x320xi32>
    %shift_left3A_151 = arith.constant 6 : i32
    %shift_left3A_152 = vector.broadcast %shift_left3A_151 : i32 to vector<2048x320xi32>
    %shift_left3A_153 = arith.shli %xor3A_149, %shift_left3A_152 : vector<2048x320xi32>
    %shift_right_logical3A_154 = arith.constant 26 : i32
    %shift_right_logical3A_155 = vector.broadcast %shift_right_logical3A_154 : i32 to vector<2048x320xi32>
    %shift_right_logical3A_156 = arith.shrui %xor3A_149, %shift_right_logical3A_155 : vector<2048x320xi32>
    %or3A_157 = arith.ori %shift_left3A_153, %shift_right_logical3A_156 : vector<2048x320xi32>
    %xor3A_158 = arith.xori %add3A_150, %or3A_157 : vector<2048x320xi32>
    %add3A_159 = arith.constant 45 : i32
    %add3A_160 = vector.broadcast %add3A_159 : i32 to vector<2048x320xi32>
    %add3A_161 = arith.addi %xor3A_158, %add3A_160 : vector<2048x320xi32>
    %add3A_162 = arith.addi %add3A_150, %add3A_161 : vector<2048x320xi32>
    %shift_left3A_163 = arith.constant 17 : i32
    %shift_left3A_164 = vector.broadcast %shift_left3A_163 : i32 to vector<2048x320xi32>
    %shift_left3A_165 = arith.shli %add3A_161, %shift_left3A_164 : vector<2048x320xi32>
    %shift_right_logical3A_166 = arith.constant 15 : i32
    %shift_right_logical3A_167 = vector.broadcast %shift_right_logical3A_166 : i32 to vector<2048x320xi32>
    %shift_right_logical3A_168 = arith.shrui %add3A_161, %shift_right_logical3A_167 : vector<2048x320xi32>
    %or3A_169 = arith.ori %shift_left3A_165, %shift_right_logical3A_168 : vector<2048x320xi32>
    %xor3A_170 = arith.xori %add3A_162, %or3A_169 : vector<2048x320xi32>
    %add3A_171 = arith.addi %add3A_162, %xor3A_170 : vector<2048x320xi32>
    %shift_left3A_172 = arith.constant 29 : i32
    %shift_left3A_173 = vector.broadcast %shift_left3A_172 : i32 to vector<2048x320xi32>
    %shift_left3A_174 = arith.shli %xor3A_170, %shift_left3A_173 : vector<2048x320xi32>
    %shift_right_logical3A_175 = arith.constant 3 : i32
    %shift_right_logical3A_176 = vector.broadcast %shift_right_logical3A_175 : i32 to vector<2048x320xi32>
    %shift_right_logical3A_177 = arith.shrui %xor3A_170, %shift_right_logical3A_176 : vector<2048x320xi32>
    %or3A_178 = arith.ori %shift_left3A_174, %shift_right_logical3A_177 : vector<2048x320xi32>
    %xor3A_179 = arith.xori %add3A_171, %or3A_178 : vector<2048x320xi32>
    %add3A_180 = arith.addi %add3A_171, %xor3A_179 : vector<2048x320xi32>
    %shift_left3A_181 = arith.constant 16 : i32
    %shift_left3A_182 = vector.broadcast %shift_left3A_181 : i32 to vector<2048x320xi32>
    %shift_left3A_183 = arith.shli %xor3A_179, %shift_left3A_182 : vector<2048x320xi32>
    %shift_right_logical3A_184 = arith.constant 16 : i32
    %shift_right_logical3A_185 = vector.broadcast %shift_right_logical3A_184 : i32 to vector<2048x320xi32>
    %shift_right_logical3A_186 = arith.shrui %xor3A_179, %shift_right_logical3A_185 : vector<2048x320xi32>
    %or3A_187 = arith.ori %shift_left3A_183, %shift_right_logical3A_186 : vector<2048x320xi32>
    %xor3A_188 = arith.xori %add3A_180, %or3A_187 : vector<2048x320xi32>
    %add3A_189 = arith.addi %add3A_180, %xor3A_188 : vector<2048x320xi32>
    %shift_left3A_190 = arith.constant 24 : i32
    %shift_left3A_191 = vector.broadcast %shift_left3A_190 : i32 to vector<2048x320xi32>
    %shift_left3A_192 = arith.shli %xor3A_188, %shift_left3A_191 : vector<2048x320xi32>
    %shift_right_logical3A_193 = arith.constant 8 : i32
    %shift_right_logical3A_194 = vector.broadcast %shift_right_logical3A_193 : i32 to vector<2048x320xi32>
    %shift_right_logical3A_195 = arith.shrui %xor3A_188, %shift_right_logical3A_194 : vector<2048x320xi32>
    %or3A_196 = arith.ori %shift_left3A_192, %shift_right_logical3A_195 : vector<2048x320xi32>
    %xor3A_197 = arith.xori %add3A_189, %or3A_196 : vector<2048x320xi32>
    %add3A_198 = arith.constant 42 : i32
    %add3A_199 = vector.broadcast %add3A_198 : i32 to vector<2048x320xi32>
    %add3A_200 = arith.addi %add3A_189, %add3A_199 : vector<2048x320xi32>
    %add3A_201 = arith.constant 466689012 : i32
    %add3A_202 = vector.broadcast %add3A_201 : i32 to vector<2048x320xi32>
    %add3A_203 = arith.addi %xor3A_197, %add3A_202 : vector<2048x320xi32>
    %add3A_204 = arith.addi %add3A_200, %add3A_203 : vector<2048x320xi32>
    %shift_left3A_205 = arith.constant 13 : i32
    %shift_left3A_206 = vector.broadcast %shift_left3A_205 : i32 to vector<2048x320xi32>
    %shift_left3A_207 = arith.shli %add3A_203, %shift_left3A_206 : vector<2048x320xi32>
    %shift_right_logical3A_208 = arith.constant 19 : i32
    %shift_right_logical3A_209 = vector.broadcast %shift_right_logical3A_208 : i32 to vector<2048x320xi32>
    %shift_right_logical3A_210 = arith.shrui %add3A_203, %shift_right_logical3A_209 : vector<2048x320xi32>
    %or3A_211 = arith.ori %shift_left3A_207, %shift_right_logical3A_210 : vector<2048x320xi32>
    %xor3A_212 = arith.xori %add3A_204, %or3A_211 : vector<2048x320xi32>
    %add3A_213 = arith.addi %add3A_204, %xor3A_212 : vector<2048x320xi32>
    %shift_left3A_214 = arith.constant 15 : i32
    %shift_left3A_215 = vector.broadcast %shift_left3A_214 : i32 to vector<2048x320xi32>
    %shift_left3A_216 = arith.shli %xor3A_212, %shift_left3A_215 : vector<2048x320xi32>
    %shift_right_logical3A_217 = arith.constant 17 : i32
    %shift_right_logical3A_218 = vector.broadcast %shift_right_logical3A_217 : i32 to vector<2048x320xi32>
    %shift_right_logical3A_219 = arith.shrui %xor3A_212, %shift_right_logical3A_218 : vector<2048x320xi32>
    %or3A_220 = arith.ori %shift_left3A_216, %shift_right_logical3A_219 : vector<2048x320xi32>
    %xor3A_221 = arith.xori %add3A_213, %or3A_220 : vector<2048x320xi32>
    %add3A_222 = arith.addi %add3A_213, %xor3A_221 : vector<2048x320xi32>
    %shift_left3A_223 = arith.constant 26 : i32
    %shift_left3A_224 = vector.broadcast %shift_left3A_223 : i32 to vector<2048x320xi32>
    %shift_left3A_225 = arith.shli %xor3A_221, %shift_left3A_224 : vector<2048x320xi32>
    %shift_right_logical3A_226 = arith.constant 6 : i32
    %shift_right_logical3A_227 = vector.broadcast %shift_right_logical3A_226 : i32 to vector<2048x320xi32>
    %shift_right_logical3A_228 = arith.shrui %xor3A_221, %shift_right_logical3A_227 : vector<2048x320xi32>
    %or3A_229 = arith.ori %shift_left3A_225, %shift_right_logical3A_228 : vector<2048x320xi32>
    %xor3A_230 = arith.xori %add3A_222, %or3A_229 : vector<2048x320xi32>
    %add3A_231 = arith.addi %add3A_222, %xor3A_230 : vector<2048x320xi32>
    %shift_left3A_232 = arith.constant 6 : i32
    %shift_left3A_233 = vector.broadcast %shift_left3A_232 : i32 to vector<2048x320xi32>
    %shift_left3A_234 = arith.shli %xor3A_230, %shift_left3A_233 : vector<2048x320xi32>
    %shift_right_logical3A_235 = arith.constant 26 : i32
    %shift_right_logical3A_236 = vector.broadcast %shift_right_logical3A_235 : i32 to vector<2048x320xi32>
    %shift_right_logical3A_237 = arith.shrui %xor3A_230, %shift_right_logical3A_236 : vector<2048x320xi32>
    %or3A_238 = arith.ori %shift_left3A_234, %shift_right_logical3A_237 : vector<2048x320xi32>
    %xor3A_239 = arith.xori %add3A_231, %or3A_238 : vector<2048x320xi32>
    %add3A_240 = arith.constant 466689008 : i32
    %add3A_241 = vector.broadcast %add3A_240 : i32 to vector<2048x320xi32>
    %add3A_242 = arith.addi %add3A_231, %add3A_241 : vector<2048x320xi32>
    %add3A_243 = arith.constant 5 : i32
    %add3A_244 = vector.broadcast %add3A_243 : i32 to vector<2048x320xi32>
    %add3A_245 = arith.addi %xor3A_239, %add3A_244 : vector<2048x320xi32>
    %xor3A_246 = arith.xori %add3A_242, %add3A_245 : vector<2048x320xi32>
    %shift_right_logical3A_247 = arith.constant 9 : i32
    %shift_right_logical3A_248 = vector.broadcast %shift_right_logical3A_247 : i32 to vector<2048x320xi32>
    %shift_right_logical3A_249 = arith.shrui %xor3A_246, %shift_right_logical3A_248 : vector<2048x320xi32>
    %or3A_250 = arith.constant 1065353216 : i32
    %or3A_251 = vector.broadcast %or3A_250 : i32 to vector<2048x320xi32>
    %or3A_252 = arith.ori %shift_right_logical3A_249, %or3A_251 : vector<2048x320xi32>
    %bitcast_convert_type3A = tpu.bitcast %or3A_252 : vector<2048x320xi32> -> vector<2048x320xf32>
    %sub3A_253 = arith.constant 1.000000e+00 : f32
    %sub3A_254 = vector.broadcast %sub3A_253 : f32 to vector<2048x320xf32>
    %sub3A_255 = arith.subf %bitcast_convert_type3A, %sub3A_254 : vector<2048x320xf32>
    %add3A_256 = arith.constant 9.99999968E-21 : f32
    %add3A_257 = vector.broadcast %add3A_256 : f32 to vector<2048x320xf32>
    %add3A_258 = arith.addf %sub3A_255, %add3A_257 : vector<2048x320xf32>
    %max3A = arith.constant 9.99999968E-21 : f32
    %max3A_259 = vector.broadcast %max3A : f32 to vector<2048x320xf32>
    %max3A_260 = arith.maximumf %max3A_259, %add3A_258 : vector<2048x320xf32>
    %log3A = math.log %max3A_260 : vector<2048x320xf32>
    %neg3A = arith.constant 0.000000e+00 : f32
    %neg3A_261 = vector.broadcast %neg3A : f32 to vector<2048x320xf32>
    %neg3A_262 = arith.subf %neg3A_261, %log3A : vector<2048x320xf32>
    %log3A_263 = math.log %neg3A_262 : vector<2048x320xf32>
    %neg3A_264 = arith.constant 0.000000e+00 : f32
    %neg3A_265 = vector.broadcast %neg3A_264 : f32 to vector<2048x320xf32>
    %neg3A_266 = arith.subf %neg3A_265, %log3A_263 : vector<2048x320xf32>
    %add3A_267 = arith.addf %add3A_10, %neg3A_266 : vector<2048x320xf32>
    %reduce_max3A_268 = arith.constant dense<0xFF800000> : vector<2048xf32>
    %reduce_max3A_269 = vector.multi_reduction <maximumf>, %add3A_267, %reduce_max3A_268 [1] : vector<2048x320xf32> to vector<2048xf32>
    %broadcast_in_dim3A_270 = vector.shape_cast %reduce_max3A_269 : vector<2048xf32> to vector<2048x1xf32>
    %eq3A_271 = vector.broadcast %broadcast_in_dim3A_270 : vector<2048x1xf32> to vector<2048x320xf32>
    %eq3A_272 = arith.cmpf oeq, %add3A_267, %eq3A_271 : vector<2048x320xf32>
    %jit3A = arith.constant 320 : i32
    %broadcast_in_dim3A_273 = vector.broadcast %jit3A : i32 to vector<2048x320xi32>
    %select_n3A = arith.select %eq3A_272, %iota3A, %broadcast_in_dim3A_273 : vector<2048x320xi1>, vector<2048x320xi32>
    %reduce_min3A = arith.constant dense<2147483647> : vector<2048xi32>
    %reduce_min3A_274 = vector.multi_reduction <minsi>, %select_n3A, %reduce_min3A [1] : vector<2048x320xi32> to vector<2048xi32>
    %broadcast_in_dim3A_275 = vector.shape_cast %reduce_min3A_274 : vector<2048xi32> to vector<2048x1xi32>
    %add3A_276 = arith.constant 0 : i32
    %add3A_277 = vector.broadcast %add3A_276 : i32 to vector<2048x1xi32>
    %add3A_278 = arith.addi %broadcast_in_dim3A_275, %add3A_277 : vector<2048x1xi32>
    %swap3A = arith.constant 0 : index
    %swap3A_279 = arith.constant 0 : index
    %swap3A_280 = vector.load %arg6[%swap3A, %swap3A_279] : memref<2048x2xi32, #tpu.memory_space<vmem>>, vector<2048x1xi32>
    tpu.vector_store %arg6[%swap3A, %swap3A_279], %add3A_278 {strides = array<i32>} : memref<2048x2xi32, #tpu.memory_space<vmem>>, vector<2048x1xi32>,
    %get3A_281 = arith.constant 0 : index
    %get3A_282 = arith.constant 0 : index
    %get3A_283 = vector.load %arg3[%get3A_281, %get3A_282] : memref<320x512xf32, #tpu.memory_space<vmem>>, vector<320x512xf32>
    %convert_element_type3A_284 = arith.truncf %get3A_283 : vector<320x512xf32> to vector<320x512xbf16>
    %dot_general3A_285 = arith.constant dense<0.000000e+00> : vector<2048x320xf32>
    %dot_general3A_286 = tpu.matmul %convert_element_type3A, %convert_element_type3A_284, %dot_general3A_285 {dimension_numbers = #tpu.dot_dimension_numbers<[1], [1], [0], [0], [0, 0, 1, 0], [], []>, transpose_lhs_hint = false} : vector<2048x512xbf16>, vector<320x512xbf16>, vector<2048x320xf32> -> vector<2048x320xf32>
    %get3A_287 = arith.constant 0 : index
    %get3A_288 = arith.constant 0 : index
    %get3A_289 = vector.load %arg5[%get3A_287, %get3A_288] : memref<1x320xf32, #tpu.memory_space<vmem>>, vector<1x320xf32>
    %add3A_290 = vector.broadcast %get3A_289 : vector<1x320xf32> to vector<2048x320xf32>
    %add3A_291 = arith.addf %dot_general3A_286, %add3A_290 : vector<2048x320xf32>
    %reduce_max3A_292 = arith.constant dense<0xFF800000> : vector<2048xf32>
    %reduce_max3A_293 = vector.multi_reduction <maximumf>, %add3A_291, %reduce_max3A_292 [1] : vector<2048x320xf32> to vector<2048xf32>
    %broadcast_in_dim3A_294 = vector.shape_cast %reduce_max3A_293 : vector<2048xf32> to vector<2048x1xf32>
    %sub3A_295 = vector.broadcast %broadcast_in_dim3A_294 : vector<2048x1xf32> to vector<2048x320xf32>
    %sub3A_296 = arith.subf %add3A_291, %sub3A_295 : vector<2048x320xf32>
    %exp3A_297 = math.exp %sub3A_296 : vector<2048x320xf32>
    %reduce_sum3A_298 = arith.constant dense<0.000000e+00> : vector<2048xf32>
    %reduce_sum3A_299 = vector.multi_reduction <add>, %exp3A_297, %reduce_sum3A_298 [1] : vector<2048x320xf32> to vector<2048xf32>
    %broadcast_in_dim3A_300 = vector.shape_cast %reduce_sum3A_299 : vector<2048xf32> to vector<2048x1xf32>
    %div3A_301 = arith.constant 1.000000e+00 : f32
    %div3A_302 = vector.broadcast %div3A_301 : f32 to vector<2048x1xf32>
    %div3A_303 = arith.divf %div3A_302, %broadcast_in_dim3A_300 : vector<2048x1xf32>
    %mul3A_304 = vector.broadcast %div3A_303 : vector<2048x1xf32> to vector<2048x320xf32>
    %mul3A_305 = arith.mulf %exp3A_297, %mul3A_304 : vector<2048x320xf32>
    %reduce_sum3A_306 = arith.constant dense<0.000000e+00> : vector<320xf32>
    %reduce_sum3A_307 = vector.multi_reduction <add>, %mul3A_305, %reduce_sum3A_306 [0] : vector<2048x320xf32> to vector<320xf32>
    %broadcast_in_dim3A_308 = vector.shape_cast %reduce_sum3A_307 : vector<320xf32> to vector<1x320xf32>
    %eq3A_309 = arith.constant 0 : i32
    %eq3A_310 = arith.cmpi eq, %arg0, %eq3A_309 : i32
    %convert_element_type3A_311 = arith.extui %eq3A_310 : i1 to i32
    %cond3A_312 = arith.constant 0 : i32
    %cond3A_313 = arith.cmpi ne, %convert_element_type3A_311, %cond3A_312 : i32
    scf.if %cond3A_313 {
      %swap3A_589 = arith.constant 0 : index
      %swap3A_590 = arith.constant 0 : index
      %swap3A_591 = vector.load %arg8[%swap3A_589, %swap3A_590] : memref<1x320xf32, #tpu.memory_space<vmem>>, vector<1x320xf32>
      tpu.vector_store %arg8[%swap3A_589, %swap3A_590], %broadcast_in_dim3A_308 {strides = array<i32>} : memref<1x320xf32, #tpu.memory_space<vmem>>, vector<1x320xf32>,
    } else {
    }
    %gt3A_314 = arith.constant 0 : i32
    %gt3A_315 = arith.cmpi sgt, %arg0, %gt3A_314 : i32
    %convert_element_type3A_316 = arith.extui %gt3A_315 : i1 to i32
    %cond3A_317 = arith.constant 0 : i32
    %cond3A_318 = arith.cmpi ne, %convert_element_type3A_316, %cond3A_317 : i32
    scf.if %cond3A_318 {
      %get3A_589 = arith.constant 0 : index
      %get3A_590 = arith.constant 0 : index
      %get3A_591 = vector.load %arg8[%get3A_589, %get3A_590] : memref<1x320xf32, #tpu.memory_space<vmem>>, vector<1x320xf32>
      %add3A_592 = arith.addf %get3A_591, %broadcast_in_dim3A_308 : vector<1x320xf32>
      %swap3A_593 = arith.constant 0 : index
      %swap3A_594 = arith.constant 0 : index
      %swap3A_595 = vector.load %arg8[%swap3A_593, %swap3A_594] : memref<1x320xf32, #tpu.memory_space<vmem>>, vector<1x320xf32>
      tpu.vector_store %arg8[%swap3A_593, %swap3A_594], %add3A_592 {strides = array<i32>} : memref<1x320xf32, #tpu.memory_space<vmem>>, vector<1x320xf32>,
    } else {
    }
    %iota3A_319 = tpu.iota {dimensions = array<i32: 0>} : vector<2048x320xi32>
    %iota3A_320 = tpu.iota {dimensions = array<i32: 1>} : vector<2048x320xi32>
    %mul3A_321 = arith.constant 4096 : i32
    %mul3A_322 = arith.muli %arg0, %mul3A_321 : i32
    %add3A_323 = arith.constant 1 : i32
    %add3A_324 = arith.addi %mul3A_322, %add3A_323 : i32
    %mul3A_325 = arith.constant 320 : i32
    %mul3A_326 = arith.muli %add3A_324, %mul3A_325 : i32
    %add3A_327 = arith.constant 42 : i32
    %add3A_328 = arith.addi %mul3A_326, %add3A_327 : i32
    %mul3A_329 = arith.constant 640 : i32
    %mul3A_330 = vector.broadcast %mul3A_329 : i32 to vector<2048x320xi32>
    %mul3A_331 = arith.muli %iota3A_319, %mul3A_330 : vector<2048x320xi32>
    %add3A_332 = arith.addi %mul3A_331, %iota3A_320 : vector<2048x320xi32>
    %add3A_333 = vector.broadcast %add3A_328 : i32 to vector<2048x320xi32>
    %add3A_334 = arith.addi %add3A_332, %add3A_333 : vector<2048x320xi32>
    %shift_left3A_335 = arith.constant 13 : i32
    %shift_left3A_336 = vector.broadcast %shift_left3A_335 : i32 to vector<2048x320xi32>
    %shift_left3A_337 = arith.shli %add3A_334, %shift_left3A_336 : vector<2048x320xi32>
    %shift_right_logical3A_338 = arith.constant 19 : i32
    %shift_right_logical3A_339 = vector.broadcast %shift_right_logical3A_338 : i32 to vector<2048x320xi32>
    %shift_right_logical3A_340 = arith.shrui %add3A_334, %shift_right_logical3A_339 : vector<2048x320xi32>
    %or3A_341 = arith.ori %shift_left3A_337, %shift_right_logical3A_340 : vector<2048x320xi32>
    %xor3A_342 = arith.xori %or3A_341, %add3A_334 : vector<2048x320xi32>
    %add3A_343 = arith.addi %add3A_334, %xor3A_342 : vector<2048x320xi32>
    %shift_left3A_344 = arith.constant 15 : i32
    %shift_left3A_345 = vector.broadcast %shift_left3A_344 : i32 to vector<2048x320xi32>
    %shift_left3A_346 = arith.shli %xor3A_342, %shift_left3A_345 : vector<2048x320xi32>
    %shift_right_logical3A_347 = arith.constant 17 : i32
    %shift_right_logical3A_348 = vector.broadcast %shift_right_logical3A_347 : i32 to vector<2048x320xi32>
    %shift_right_logical3A_349 = arith.shrui %xor3A_342, %shift_right_logical3A_348 : vector<2048x320xi32>
    %or3A_350 = arith.ori %shift_left3A_346, %shift_right_logical3A_349 : vector<2048x320xi32>
    %xor3A_351 = arith.xori %add3A_343, %or3A_350 : vector<2048x320xi32>
    %add3A_352 = arith.addi %add3A_343, %xor3A_351 : vector<2048x320xi32>
    %shift_left3A_353 = arith.constant 26 : i32
    %shift_left3A_354 = vector.broadcast %shift_left3A_353 : i32 to vector<2048x320xi32>
    %shift_left3A_355 = arith.shli %xor3A_351, %shift_left3A_354 : vector<2048x320xi32>
    %shift_right_logical3A_356 = arith.constant 6 : i32
    %shift_right_logical3A_357 = vector.broadcast %shift_right_logical3A_356 : i32 to vector<2048x320xi32>
    %shift_right_logical3A_358 = arith.shrui %xor3A_351, %shift_right_logical3A_357 : vector<2048x320xi32>
    %or3A_359 = arith.ori %shift_left3A_355, %shift_right_logical3A_358 : vector<2048x320xi32>
    %xor3A_360 = arith.xori %add3A_352, %or3A_359 : vector<2048x320xi32>
    %add3A_361 = arith.addi %add3A_352, %xor3A_360 : vector<2048x320xi32>
    %shift_left3A_362 = arith.constant 6 : i32
    %shift_left3A_363 = vector.broadcast %shift_left3A_362 : i32 to vector<2048x320xi32>
    %shift_left3A_364 = arith.shli %xor3A_360, %shift_left3A_363 : vector<2048x320xi32>
    %shift_right_logical3A_365 = arith.constant 26 : i32
    %shift_right_logical3A_366 = vector.broadcast %shift_right_logical3A_365 : i32 to vector<2048x320xi32>
    %shift_right_logical3A_367 = arith.shrui %xor3A_360, %shift_right_logical3A_366 : vector<2048x320xi32>
    %or3A_368 = arith.ori %shift_left3A_364, %shift_right_logical3A_367 : vector<2048x320xi32>
    %xor3A_369 = arith.xori %add3A_361, %or3A_368 : vector<2048x320xi32>
    %add3A_370 = arith.constant 42 : i32
    %add3A_371 = vector.broadcast %add3A_370 : i32 to vector<2048x320xi32>
    %add3A_372 = arith.addi %add3A_361, %add3A_371 : vector<2048x320xi32>
    %add3A_373 = arith.constant 466689009 : i32
    %add3A_374 = vector.broadcast %add3A_373 : i32 to vector<2048x320xi32>
    %add3A_375 = arith.addi %xor3A_369, %add3A_374 : vector<2048x320xi32>
    %add3A_376 = arith.addi %add3A_372, %add3A_375 : vector<2048x320xi32>
    %shift_left3A_377 = arith.constant 17 : i32
    %shift_left3A_378 = vector.broadcast %shift_left3A_377 : i32 to vector<2048x320xi32>
    %shift_left3A_379 = arith.shli %add3A_375, %shift_left3A_378 : vector<2048x320xi32>
    %shift_right_logical3A_380 = arith.constant 15 : i32
    %shift_right_logical3A_381 = vector.broadcast %shift_right_logical3A_380 : i32 to vector<2048x320xi32>
    %shift_right_logical3A_382 = arith.shrui %add3A_375, %shift_right_logical3A_381 : vector<2048x320xi32>
    %or3A_383 = arith.ori %shift_left3A_379, %shift_right_logical3A_382 : vector<2048x320xi32>
    %xor3A_384 = arith.xori %add3A_376, %or3A_383 : vector<2048x320xi32>
    %add3A_385 = arith.addi %add3A_376, %xor3A_384 : vector<2048x320xi32>
    %shift_left3A_386 = arith.constant 29 : i32
    %shift_left3A_387 = vector.broadcast %shift_left3A_386 : i32 to vector<2048x320xi32>
    %shift_left3A_388 = arith.shli %xor3A_384, %shift_left3A_387 : vector<2048x320xi32>
    %shift_right_logical3A_389 = arith.constant 3 : i32
    %shift_right_logical3A_390 = vector.broadcast %shift_right_logical3A_389 : i32 to vector<2048x320xi32>
    %shift_right_logical3A_391 = arith.shrui %xor3A_384, %shift_right_logical3A_390 : vector<2048x320xi32>
    %or3A_392 = arith.ori %shift_left3A_388, %shift_right_logical3A_391 : vector<2048x320xi32>
    %xor3A_393 = arith.xori %add3A_385, %or3A_392 : vector<2048x320xi32>
    %add3A_394 = arith.addi %add3A_385, %xor3A_393 : vector<2048x320xi32>
    %shift_left3A_395 = arith.constant 16 : i32
    %shift_left3A_396 = vector.broadcast %shift_left3A_395 : i32 to vector<2048x320xi32>
    %shift_left3A_397 = arith.shli %xor3A_393, %shift_left3A_396 : vector<2048x320xi32>
    %shift_right_logical3A_398 = arith.constant 16 : i32
    %shift_right_logical3A_399 = vector.broadcast %shift_right_logical3A_398 : i32 to vector<2048x320xi32>
    %shift_right_logical3A_400 = arith.shrui %xor3A_393, %shift_right_logical3A_399 : vector<2048x320xi32>
    %or3A_401 = arith.ori %shift_left3A_397, %shift_right_logical3A_400 : vector<2048x320xi32>
    %xor3A_402 = arith.xori %add3A_394, %or3A_401 : vector<2048x320xi32>
    %add3A_403 = arith.addi %add3A_394, %xor3A_402 : vector<2048x320xi32>
    %shift_left3A_404 = arith.constant 24 : i32
    %shift_left3A_405 = vector.broadcast %shift_left3A_404 : i32 to vector<2048x320xi32>
    %shift_left3A_406 = arith.shli %xor3A_402, %shift_left3A_405 : vector<2048x320xi32>
    %shift_right_logical3A_407 = arith.constant 8 : i32
    %shift_right_logical3A_408 = vector.broadcast %shift_right_logical3A_407 : i32 to vector<2048x320xi32>
    %shift_right_logical3A_409 = arith.shrui %xor3A_402, %shift_right_logical3A_408 : vector<2048x320xi32>
    %or3A_410 = arith.ori %shift_left3A_406, %shift_right_logical3A_409 : vector<2048x320xi32>
    %xor3A_411 = arith.xori %add3A_403, %or3A_410 : vector<2048x320xi32>
    %add3A_412 = arith.constant 466689008 : i32
    %add3A_413 = vector.broadcast %add3A_412 : i32 to vector<2048x320xi32>
    %add3A_414 = arith.addi %add3A_403, %add3A_413 : vector<2048x320xi32>
    %add3A_415 = arith.constant 2 : i32
    %add3A_416 = vector.broadcast %add3A_415 : i32 to vector<2048x320xi32>
    %add3A_417 = arith.addi %xor3A_411, %add3A_416 : vector<2048x320xi32>
    %add3A_418 = arith.addi %add3A_414, %add3A_417 : vector<2048x320xi32>
    %shift_left3A_419 = arith.constant 13 : i32
    %shift_left3A_420 = vector.broadcast %shift_left3A_419 : i32 to vector<2048x320xi32>
    %shift_left3A_421 = arith.shli %add3A_417, %shift_left3A_420 : vector<2048x320xi32>
    %shift_right_logical3A_422 = arith.constant 19 : i32
    %shift_right_logical3A_423 = vector.broadcast %shift_right_logical3A_422 : i32 to vector<2048x320xi32>
    %shift_right_logical3A_424 = arith.shrui %add3A_417, %shift_right_logical3A_423 : vector<2048x320xi32>
    %or3A_425 = arith.ori %shift_left3A_421, %shift_right_logical3A_424 : vector<2048x320xi32>
    %xor3A_426 = arith.xori %add3A_418, %or3A_425 : vector<2048x320xi32>
    %add3A_427 = arith.addi %add3A_418, %xor3A_426 : vector<2048x320xi32>
    %shift_left3A_428 = arith.constant 15 : i32
    %shift_left3A_429 = vector.broadcast %shift_left3A_428 : i32 to vector<2048x320xi32>
    %shift_left3A_430 = arith.shli %xor3A_426, %shift_left3A_429 : vector<2048x320xi32>
    %shift_right_logical3A_431 = arith.constant 17 : i32
    %shift_right_logical3A_432 = vector.broadcast %shift_right_logical3A_431 : i32 to vector<2048x320xi32>
    %shift_right_logical3A_433 = arith.shrui %xor3A_426, %shift_right_logical3A_432 : vector<2048x320xi32>
    %or3A_434 = arith.ori %shift_left3A_430, %shift_right_logical3A_433 : vector<2048x320xi32>
    %xor3A_435 = arith.xori %add3A_427, %or3A_434 : vector<2048x320xi32>
    %add3A_436 = arith.addi %add3A_427, %xor3A_435 : vector<2048x320xi32>
    %shift_left3A_437 = arith.constant 26 : i32
    %shift_left3A_438 = vector.broadcast %shift_left3A_437 : i32 to vector<2048x320xi32>
    %shift_left3A_439 = arith.shli %xor3A_435, %shift_left3A_438 : vector<2048x320xi32>
    %shift_right_logical3A_440 = arith.constant 6 : i32
    %shift_right_logical3A_441 = vector.broadcast %shift_right_logical3A_440 : i32 to vector<2048x320xi32>
    %shift_right_logical3A_442 = arith.shrui %xor3A_435, %shift_right_logical3A_441 : vector<2048x320xi32>
    %or3A_443 = arith.ori %shift_left3A_439, %shift_right_logical3A_442 : vector<2048x320xi32>
    %xor3A_444 = arith.xori %add3A_436, %or3A_443 : vector<2048x320xi32>
    %add3A_445 = arith.addi %add3A_436, %xor3A_444 : vector<2048x320xi32>
    %shift_left3A_446 = arith.constant 6 : i32
    %shift_left3A_447 = vector.broadcast %shift_left3A_446 : i32 to vector<2048x320xi32>
    %shift_left3A_448 = arith.shli %xor3A_444, %shift_left3A_447 : vector<2048x320xi32>
    %shift_right_logical3A_449 = arith.constant 26 : i32
    %shift_right_logical3A_450 = vector.broadcast %shift_right_logical3A_449 : i32 to vector<2048x320xi32>
    %shift_right_logical3A_451 = arith.shrui %xor3A_444, %shift_right_logical3A_450 : vector<2048x320xi32>
    %or3A_452 = arith.ori %shift_left3A_448, %shift_right_logical3A_451 : vector<2048x320xi32>
    %xor3A_453 = arith.xori %add3A_445, %or3A_452 : vector<2048x320xi32>
    %add3A_454 = arith.constant 45 : i32
    %add3A_455 = vector.broadcast %add3A_454 : i32 to vector<2048x320xi32>
    %add3A_456 = arith.addi %xor3A_453, %add3A_455 : vector<2048x320xi32>
    %add3A_457 = arith.addi %add3A_445, %add3A_456 : vector<2048x320xi32>
    %shift_left3A_458 = arith.constant 17 : i32
    %shift_left3A_459 = vector.broadcast %shift_left3A_458 : i32 to vector<2048x320xi32>
    %shift_left3A_460 = arith.shli %add3A_456, %shift_left3A_459 : vector<2048x320xi32>
    %shift_right_logical3A_461 = arith.constant 15 : i32
    %shift_right_logical3A_462 = vector.broadcast %shift_right_logical3A_461 : i32 to vector<2048x320xi32>
    %shift_right_logical3A_463 = arith.shrui %add3A_456, %shift_right_logical3A_462 : vector<2048x320xi32>
    %or3A_464 = arith.ori %shift_left3A_460, %shift_right_logical3A_463 : vector<2048x320xi32>
    %xor3A_465 = arith.xori %add3A_457, %or3A_464 : vector<2048x320xi32>
    %add3A_466 = arith.addi %add3A_457, %xor3A_465 : vector<2048x320xi32>
    %shift_left3A_467 = arith.constant 29 : i32
    %shift_left3A_468 = vector.broadcast %shift_left3A_467 : i32 to vector<2048x320xi32>
    %shift_left3A_469 = arith.shli %xor3A_465, %shift_left3A_468 : vector<2048x320xi32>
    %shift_right_logical3A_470 = arith.constant 3 : i32
    %shift_right_logical3A_471 = vector.broadcast %shift_right_logical3A_470 : i32 to vector<2048x320xi32>
    %shift_right_logical3A_472 = arith.shrui %xor3A_465, %shift_right_logical3A_471 : vector<2048x320xi32>
    %or3A_473 = arith.ori %shift_left3A_469, %shift_right_logical3A_472 : vector<2048x320xi32>
    %xor3A_474 = arith.xori %add3A_466, %or3A_473 : vector<2048x320xi32>
    %add3A_475 = arith.addi %add3A_466, %xor3A_474 : vector<2048x320xi32>
    %shift_left3A_476 = arith.constant 16 : i32
    %shift_left3A_477 = vector.broadcast %shift_left3A_476 : i32 to vector<2048x320xi32>
    %shift_left3A_478 = arith.shli %xor3A_474, %shift_left3A_477 : vector<2048x320xi32>
    %shift_right_logical3A_479 = arith.constant 16 : i32
    %shift_right_logical3A_480 = vector.broadcast %shift_right_logical3A_479 : i32 to vector<2048x320xi32>
    %shift_right_logical3A_481 = arith.shrui %xor3A_474, %shift_right_logical3A_480 : vector<2048x320xi32>
    %or3A_482 = arith.ori %shift_left3A_478, %shift_right_logical3A_481 : vector<2048x320xi32>
    %xor3A_483 = arith.xori %add3A_475, %or3A_482 : vector<2048x320xi32>
    %add3A_484 = arith.addi %add3A_475, %xor3A_483 : vector<2048x320xi32>
    %shift_left3A_485 = arith.constant 24 : i32
    %shift_left3A_486 = vector.broadcast %shift_left3A_485 : i32 to vector<2048x320xi32>
    %shift_left3A_487 = arith.shli %xor3A_483, %shift_left3A_486 : vector<2048x320xi32>
    %shift_right_logical3A_488 = arith.constant 8 : i32
    %shift_right_logical3A_489 = vector.broadcast %shift_right_logical3A_488 : i32 to vector<2048x320xi32>
    %shift_right_logical3A_490 = arith.shrui %xor3A_483, %shift_right_logical3A_489 : vector<2048x320xi32>
    %or3A_491 = arith.ori %shift_left3A_487, %shift_right_logical3A_490 : vector<2048x320xi32>
    %xor3A_492 = arith.xori %add3A_484, %or3A_491 : vector<2048x320xi32>
    %add3A_493 = arith.constant 42 : i32
    %add3A_494 = vector.broadcast %add3A_493 : i32 to vector<2048x320xi32>
    %add3A_495 = arith.addi %add3A_484, %add3A_494 : vector<2048x320xi32>
    %add3A_496 = arith.constant 466689012 : i32
    %add3A_497 = vector.broadcast %add3A_496 : i32 to vector<2048x320xi32>
    %add3A_498 = arith.addi %xor3A_492, %add3A_497 : vector<2048x320xi32>
    %add3A_499 = arith.addi %add3A_495, %add3A_498 : vector<2048x320xi32>
    %shift_left3A_500 = arith.constant 13 : i32
    %shift_left3A_501 = vector.broadcast %shift_left3A_500 : i32 to vector<2048x320xi32>
    %shift_left3A_502 = arith.shli %add3A_498, %shift_left3A_501 : vector<2048x320xi32>
    %shift_right_logical3A_503 = arith.constant 19 : i32
    %shift_right_logical3A_504 = vector.broadcast %shift_right_logical3A_503 : i32 to vector<2048x320xi32>
    %shift_right_logical3A_505 = arith.shrui %add3A_498, %shift_right_logical3A_504 : vector<2048x320xi32>
    %or3A_506 = arith.ori %shift_left3A_502, %shift_right_logical3A_505 : vector<2048x320xi32>
    %xor3A_507 = arith.xori %add3A_499, %or3A_506 : vector<2048x320xi32>
    %add3A_508 = arith.addi %add3A_499, %xor3A_507 : vector<2048x320xi32>
    %shift_left3A_509 = arith.constant 15 : i32
    %shift_left3A_510 = vector.broadcast %shift_left3A_509 : i32 to vector<2048x320xi32>
    %shift_left3A_511 = arith.shli %xor3A_507, %shift_left3A_510 : vector<2048x320xi32>
    %shift_right_logical3A_512 = arith.constant 17 : i32
    %shift_right_logical3A_513 = vector.broadcast %shift_right_logical3A_512 : i32 to vector<2048x320xi32>
    %shift_right_logical3A_514 = arith.shrui %xor3A_507, %shift_right_logical3A_513 : vector<2048x320xi32>
    %or3A_515 = arith.ori %shift_left3A_511, %shift_right_logical3A_514 : vector<2048x320xi32>
    %xor3A_516 = arith.xori %add3A_508, %or3A_515 : vector<2048x320xi32>
    %add3A_517 = arith.addi %add3A_508, %xor3A_516 : vector<2048x320xi32>
    %shift_left3A_518 = arith.constant 26 : i32
    %shift_left3A_519 = vector.broadcast %shift_left3A_518 : i32 to vector<2048x320xi32>
    %shift_left3A_520 = arith.shli %xor3A_516, %shift_left3A_519 : vector<2048x320xi32>
    %shift_right_logical3A_521 = arith.constant 6 : i32
    %shift_right_logical3A_522 = vector.broadcast %shift_right_logical3A_521 : i32 to vector<2048x320xi32>
    %shift_right_logical3A_523 = arith.shrui %xor3A_516, %shift_right_logical3A_522 : vector<2048x320xi32>
    %or3A_524 = arith.ori %shift_left3A_520, %shift_right_logical3A_523 : vector<2048x320xi32>
    %xor3A_525 = arith.xori %add3A_517, %or3A_524 : vector<2048x320xi32>
    %add3A_526 = arith.addi %add3A_517, %xor3A_525 : vector<2048x320xi32>
    %shift_left3A_527 = arith.constant 6 : i32
    %shift_left3A_528 = vector.broadcast %shift_left3A_527 : i32 to vector<2048x320xi32>
    %shift_left3A_529 = arith.shli %xor3A_525, %shift_left3A_528 : vector<2048x320xi32>
    %shift_right_logical3A_530 = arith.constant 26 : i32
    %shift_right_logical3A_531 = vector.broadcast %shift_right_logical3A_530 : i32 to vector<2048x320xi32>
    %shift_right_logical3A_532 = arith.shrui %xor3A_525, %shift_right_logical3A_531 : vector<2048x320xi32>
    %or3A_533 = arith.ori %shift_left3A_529, %shift_right_logical3A_532 : vector<2048x320xi32>
    %xor3A_534 = arith.xori %add3A_526, %or3A_533 : vector<2048x320xi32>
    %add3A_535 = arith.constant 466689008 : i32
    %add3A_536 = vector.broadcast %add3A_535 : i32 to vector<2048x320xi32>
    %add3A_537 = arith.addi %add3A_526, %add3A_536 : vector<2048x320xi32>
    %add3A_538 = arith.constant 5 : i32
    %add3A_539 = vector.broadcast %add3A_538 : i32 to vector<2048x320xi32>
    %add3A_540 = arith.addi %xor3A_534, %add3A_539 : vector<2048x320xi32>
    %xor3A_541 = arith.xori %add3A_537, %add3A_540 : vector<2048x320xi32>
    %shift_right_logical3A_542 = arith.constant 9 : i32
    %shift_right_logical3A_543 = vector.broadcast %shift_right_logical3A_542 : i32 to vector<2048x320xi32>
    %shift_right_logical3A_544 = arith.shrui %xor3A_541, %shift_right_logical3A_543 : vector<2048x320xi32>
    %or3A_545 = arith.constant 1065353216 : i32
    %or3A_546 = vector.broadcast %or3A_545 : i32 to vector<2048x320xi32>
    %or3A_547 = arith.ori %shift_right_logical3A_544, %or3A_546 : vector<2048x320xi32>
    %bitcast_convert_type3A_548 = tpu.bitcast %or3A_547 : vector<2048x320xi32> -> vector<2048x320xf32>
    %sub3A_549 = arith.constant 1.000000e+00 : f32
    %sub3A_550 = vector.broadcast %sub3A_549 : f32 to vector<2048x320xf32>
    %sub3A_551 = arith.subf %bitcast_convert_type3A_548, %sub3A_550 : vector<2048x320xf32>
    %add3A_552 = arith.constant 9.99999968E-21 : f32
    %add3A_553 = vector.broadcast %add3A_552 : f32 to vector<2048x320xf32>
    %add3A_554 = arith.addf %sub3A_551, %add3A_553 : vector<2048x320xf32>
    %max3A_555 = arith.constant 9.99999968E-21 : f32
    %max3A_556 = vector.broadcast %max3A_555 : f32 to vector<2048x320xf32>
    %max3A_557 = arith.maximumf %max3A_556, %add3A_554 : vector<2048x320xf32>
    %log3A_558 = math.log %max3A_557 : vector<2048x320xf32>
    %neg3A_559 = arith.constant 0.000000e+00 : f32
    %neg3A_560 = vector.broadcast %neg3A_559 : f32 to vector<2048x320xf32>
    %neg3A_561 = arith.subf %neg3A_560, %log3A_558 : vector<2048x320xf32>
    %log3A_562 = math.log %neg3A_561 : vector<2048x320xf32>
    %neg3A_563 = arith.constant 0.000000e+00 : f32
    %neg3A_564 = vector.broadcast %neg3A_563 : f32 to vector<2048x320xf32>
    %neg3A_565 = arith.subf %neg3A_564, %log3A_562 : vector<2048x320xf32>
    %add3A_566 = arith.addf %add3A_291, %neg3A_565 : vector<2048x320xf32>
    %reduce_max3A_567 = arith.constant dense<0xFF800000> : vector<2048xf32>
    %reduce_max3A_568 = vector.multi_reduction <maximumf>, %add3A_566, %reduce_max3A_567 [1] : vector<2048x320xf32> to vector<2048xf32>
    %broadcast_in_dim3A_569 = vector.shape_cast %reduce_max3A_568 : vector<2048xf32> to vector<2048x1xf32>
    %eq3A_570 = vector.broadcast %broadcast_in_dim3A_569 : vector<2048x1xf32> to vector<2048x320xf32>
    %eq3A_571 = arith.cmpf oeq, %add3A_566, %eq3A_570 : vector<2048x320xf32>
    %jit3A_572 = arith.constant 320 : i32
    %broadcast_in_dim3A_573 = vector.broadcast %jit3A_572 : i32 to vector<2048x320xi32>
    %select_n3A_574 = arith.select %eq3A_571, %iota3A, %broadcast_in_dim3A_573 : vector<2048x320xi1>, vector<2048x320xi32>
    %reduce_min3A_575 = arith.constant dense<2147483647> : vector<2048xi32>
    %reduce_min3A_576 = vector.multi_reduction <minsi>, %select_n3A_574, %reduce_min3A_575 [1] : vector<2048x320xi32> to vector<2048xi32>
    %broadcast_in_dim3A_577 = vector.shape_cast %reduce_min3A_576 : vector<2048xi32> to vector<2048x1xi32>
    %add3A_578 = arith.constant 320 : i32
    %add3A_579 = vector.broadcast %add3A_578 : i32 to vector<2048x1xi32>
    %add3A_580 = arith.addi %broadcast_in_dim3A_577, %add3A_579 : vector<2048x1xi32>
    %swap3A_581 = arith.constant 0 : index
    %swap3A_582 = arith.constant 1 : index
    %swap3A_583 = vector.load %arg6[%swap3A_581, %swap3A_582] : memref<2048x2xi32, #tpu.memory_space<vmem>>, vector<2048x1xi32>
    tpu.vector_store %arg6[%swap3A_581, %swap3A_582], %add3A_580 {strides = array<i32>} : memref<2048x2xi32, #tpu.memory_space<vmem>>, vector<2048x1xi32>,
    %eq3A_584 = arith.constant 3 : i32
    %eq3A_585 = arith.cmpi eq, %arg0, %eq3A_584 : i32
    %convert_element_type3A_586 = arith.extui %eq3A_585 : i1 to i32
    %cond3A_587 = arith.constant 0 : i32
    %cond3A_588 = arith.cmpi ne, %convert_element_type3A_586, %cond3A_587 : i32
    scf.if %cond3A_588 {
      %get3A_589 = arith.constant 0 : index
      %get3A_590 = arith.constant 0 : index
      %get3A_591 = vector.load %arg7[%get3A_589, %get3A_590] : memref<1x320xf32, #tpu.memory_space<vmem>>, vector<1x320xf32>
      %mul3A_592 = arith.constant 1.22070313E-4 : f32
      %mul3A_593 = vector.broadcast %mul3A_592 : f32 to vector<1x320xf32>
      %mul3A_594 = arith.mulf %get3A_591, %mul3A_593 : vector<1x320xf32>
      %get3A_595 = arith.constant 0 : index
      %get3A_596 = arith.constant 0 : index
      %get3A_597 = vector.load %arg8[%get3A_595, %get3A_596] : memref<1x320xf32, #tpu.memory_space<vmem>>, vector<1x320xf32>
      %mul3A_598 = arith.constant 1.22070313E-4 : f32
      %mul3A_599 = vector.broadcast %mul3A_598 : f32 to vector<1x320xf32>
      %mul3A_600 = arith.mulf %get3A_597, %mul3A_599 : vector<1x320xf32>
      %add3A_601 = arith.constant 1.000000e-07 : f32
      %add3A_602 = vector.broadcast %add3A_601 : f32 to vector<1x320xf32>
      %add3A_603 = arith.addf %mul3A_594, %add3A_602 : vector<1x320xf32>
      %log3A_604 = math.log %add3A_603 : vector<1x320xf32>
      %mul3A_605 = arith.mulf %mul3A_594, %log3A_604 : vector<1x320xf32>
      %reduce_sum3A_606 = arith.constant dense<0.000000e+00> : vector<1xf32>
      %reduce_sum3A_607 = vector.multi_reduction <add>, %mul3A_605, %reduce_sum3A_606 [1] : vector<1x320xf32> to vector<1xf32>
      %broadcast_in_dim3A_608 = vector.shape_cast %reduce_sum3A_607 : vector<1xf32> to vector<1x1xf32>
      %add3A_609 = arith.constant 1.000000e-07 : f32
      %add3A_610 = vector.broadcast %add3A_609 : f32 to vector<1x320xf32>
      %add3A_611 = arith.addf %mul3A_600, %add3A_610 : vector<1x320xf32>
      %log3A_612 = math.log %add3A_611 : vector<1x320xf32>
      %mul3A_613 = arith.mulf %mul3A_600, %log3A_612 : vector<1x320xf32>
      %reduce_sum3A_614 = arith.constant dense<0.000000e+00> : vector<1xf32>
      %reduce_sum3A_615 = vector.multi_reduction <add>, %mul3A_613, %reduce_sum3A_614 [1] : vector<1x320xf32> to vector<1xf32>
      %broadcast_in_dim3A_616 = vector.shape_cast %reduce_sum3A_615 : vector<1xf32> to vector<1x1xf32>
      %neg3A_617 = arith.constant 0.000000e+00 : f32
      %neg3A_618 = vector.broadcast %neg3A_617 : f32 to vector<1x1xf32>
      %neg3A_619 = arith.subf %neg3A_618, %broadcast_in_dim3A_608 : vector<1x1xf32>
      %exp3A_620 = math.exp %neg3A_619 : vector<1x1xf32>
      %neg3A_621 = arith.constant 0.000000e+00 : f32
      %neg3A_622 = vector.broadcast %neg3A_621 : f32 to vector<1x1xf32>
      %neg3A_623 = arith.subf %neg3A_622, %broadcast_in_dim3A_616 : vector<1x1xf32>
      %exp3A_624 = math.exp %neg3A_623 : vector<1x1xf32>
      %add3A_625 = arith.addf %exp3A_620, %exp3A_624 : vector<1x1xf32>
      %swap3A_626 = arith.constant 0 : index
      %swap3A_627 = arith.constant 0 : index
      %swap3A_628 = vector.load %arg9[%swap3A_626, %swap3A_627] : memref<1x1xf32, #tpu.memory_space<vmem>>, vector<1x1xf32>
      tpu.vector_store %arg9[%swap3A_626, %swap3A_627], %add3A_625 {strides = array<i32>} : memref<1x1xf32, #tpu.memory_space<vmem>>, vector<1x1xf32>,
    } else {
    }
    return
  }
  func.func @transform_0(%arg0: i32) -> (i32, i32) {
    %c0_i32 = arith.constant 0 : i32
    %c0_i32_0 = arith.constant 0 : i32
    return %arg0, %c0_i32 : i32, i32
  }
  func.func @transform_1(%arg0: i32) -> (i32, i32) {
    %c0_i32 = arith.constant 0 : i32
    %c0_i32_0 = arith.constant 0 : i32
    %c0_i32_1 = arith.constant 0 : i32
    return %c0_i32, %c0_i32_0 : i32, i32
  }
  func.func @transform_2(%arg0: i32) -> (i32, i32) {
    %c1_i32 = arith.constant 1 : i32
    %c0_i32 = arith.constant 0 : i32
    %c0_i32_0 = arith.constant 0 : i32
    return %c1_i32, %c0_i32 : i32, i32
  }
  func.func @transform_3(%arg0: i32) -> (i32, i32) {
    %c0_i32 = arith.constant 0 : i32
    %c0_i32_0 = arith.constant 0 : i32
    %c0_i32_1 = arith.constant 0 : i32
    return %c0_i32, %c0_i32_0 : i32, i32
  }
  func.func @transform_4(%arg0: i32) -> (i32, i32) {
    %c0_i32 = arith.constant 0 : i32
    %c0_i32_0 = arith.constant 0 : i32
    %c0_i32_1 = arith.constant 0 : i32
    return %c0_i32, %c0_i32_0 : i32, i32
  }
  func.func @transform_5(%arg0: i32) -> (i32, i32) {
    %c0_i32 = arith.constant 0 : i32
    %c0_i32_0 = arith.constant 0 : i32
    return %arg0, %c0_i32 : i32, i32
  }
  func.func @transform_6(%arg0: i32) -> (i32, i32) {
    %c0_i32 = arith.constant 0 : i32
    %c0_i32_0 = arith.constant 0 : i32
    %c0_i32_1 = arith.constant 0 : i32
    return %c0_i32, %c0_i32_0 : i32, i32
  }
  func.func @transform_7(%arg0: i32) -> (i32, i32) {
    %c0_i32 = arith.constant 0 : i32
    %c0_i32_0 = arith.constant 0 : i32
    %c0_i32_1 = arith.constant 0 : i32
    return %c0_i32, %c0_i32_0 : i32, i32
  }
  func.func @transform_8(%arg0: i32) -> (i32, i32) {
    %c0_i32 = arith.constant 0 : i32
    %c0_i32_0 = arith.constant 0 : i32
    %c0_i32_1 = arith.constant 0 : i32
    return %c0_i32, %c0_i32_0 : i32, i32
  }
}

</mosaic_0001>

<sc_bundles>
// kernel: kernel.4.cloned.1.call-start
scs
__scs_entry_jumppad:
0x0: {  	(pc) =	sbr.rel $0x88, $3  }
0x1: {  	(tag) =	ssettag $0x0;
	lr =	simm.s32 $0x1  }
0x2: {  	[smem:$0x3F9D] =	sst lr;
	_ =	strace $0xD0000000  }
0x3: {  	_ = 	snop  }
0x4: {  	_ = 	snop  }
0x5: {  	_ = 	snop  }
0x6: {  	_ = 	snop  }
0x7: {  	_ = 	snop  }
__scs_overlays_trampoline_lowered:
0x8: {  	[smem:$0x3FAC] =	sst s0  }
0x9: {  	[smem:$0x3FAD] =	sst s1  }
0xa: {  	[smem:$0x3FAE] =	sst s2  }
0xb: {  	[smem:$0x3FAF] =	sst s3  }
0xc: {  	[smem:$0x3FB0] =	sst s4  }
0xd: {  	[smem:$0x3FB1] =	sst s5  }
0xe: {  	[smem:$0x3FB2] =	sst s6  }
0xf: {  	[smem:$0x3FB3] =	sst s7  }
0x10: {  	[smem:$0x3FB4] =	sst s8  }
0x11: {  	[smem:$0x3FB5] =	sst s9;
	s0 =	simm.s32 @!p0 $0x0  }
0x12: {  	s1 =	sld [smem:$0x3F9B];
	s0 =	simm.s32 @p0 $0x1  }
0x13: {  	[smem:$0x3FB6] =	sst s0;
	s0 =	simm.s32 @!p1 $0x0  }
0x14: {  	s2 =	sld [smem:$0x3F9A];
	s0 =	simm.s32 @p1 $0x1  }
0x15: {  	[smem:$0x3FB7] =	sst s0;
	s0 =	simm.s32 @!p2 $0x0  }
0x16: {  	s3 =	sld [smem:$0x3FDB];
	s0 =	simm.s32 @p2 $0x1  }
0x17: {  	s4 =	simm.s32 $0x1BF5;
	[smem:$0x3FB9] =	sst s0  }
0x18: {  	s0 =	sld [smem:$0x3F9C];
	_ =	swait.ge [sflag:s4], $0x0  }
0x19: {  	s7 =	sld [smem:$0x3F9D]  }
0x1a: {  	s8 =	sadd.s32 $0xFFFFE003, lr  }
0x1b: {  	s9 =	sadd.s32 $0xFFFFFEF7, lr;
	s5 =	simm.s32 $0xFFFFFFFF;
	p2 =	slt.u32 s8, $0xFFFFF086  }
0x1c: {  	p1 =	slt.u32 s9, $0xF7A;
	s5 =	simm.s32 @!p2 $0x0  }
0x1d: {  	s5 =	simm.s32 @p1 $0x1;
	p0 =	seq.s32 s7, s2  }
0x1e: {  	s7 =	smul.u32 @!p0 $0xF7A, s2;
	p2 =	seq.s32 @!p0 s5, $0x0  }
0x1f: {  	s9 =	smul.u32 $0xF7A, s1;
	s8 =	simm.s32 @!p0 $0x1BF5;
	p2 =	por !p2, p0  }
0x20: {  	[sflag:s8] =	ssyncset.s32 @!p0 $0xFFFFF086;
	s6 =	sadd.s32 @!p0 s3, s7;
	s7 =	simm.s32 @!p0 $0x108  }
0x21: {  	s3 =	sadd.s32 s3, s9;
	s6 =	sadd.s32 @!p0 $0x88, s6;
	s7 =	simm.s32 @p2 $0x1082  }
0x22: {  	[simem:s7], [sflag:s8] =	dma.local @!p0 [hbm:s6], $0xF7A  }
0x23: {  	s9 =	sor.u32 $0xD0000000, s2;
	s6 =	simm.s32 $0x108;
	_ =	swait.ge @!p0 [sflag:s8], $0x0  }
0x24: {  	s3 =	sadd.s32 $0x88, s3;
	s6 =	simm.s32 @!p1 $0x1082;
	[sflag:s4] =	ssyncset.s32 $0xFFFFF086  }
0x25: {  	[simem:s6], [sflag:s4] =	dma.local [hbm:s3], $0xF7A  }
0x26: {  	[smem:$0x3F9D] =	sst s1;
	(tag) =	ssettag s2;
	_ =	strace s9  }
0x27: {  	s1 =	sld [smem:$0x3FAD]  }
0x28: {  	s2 =	sld [smem:$0x3FAE]  }
0x29: {  	s4 =	sld [smem:$0x3FB0]  }
0x2a: {  	p0 =	seq.s32 s5, $0x0;
	s5 =	sld [smem:$0x3FB1]  }
0x2b: {  	s6 =	sld [smem:$0x3FB2]  }
0x2c: {  	s7 =	sld [smem:$0x3FB3]  }
0x2d: {  	s3 =	simm.s32 $0x108;
	s8 =	sld [smem:$0x3FB4]  }
0x2e: {  	s3 =	simm.s32 @!p0 $0x1082;
	s9 =	sld [smem:$0x3FB5]  }
0x2f: {  	lr =	sadd.s32 s0, s3;
	s0 =	sld [smem:$0x3FAC]  }
0x30: {  	s3 =	sld [smem:$0x3FAF]  }
0x31: {  	[smem:$0x3FB8] =	sst s10  }
0x32: {  	s10 =	sld [smem:$0x3FB6];
	_ =	sdelay $0x3  }
0x33: {  	p0 =	seq.s32 s10, $0x1;
	s10 =	sld [smem:$0x3FB8];
	_ =	sdelay $0x3  }
0x34: {  	[smem:$0x3FB8] =	sst s10  }
0x35: {  	s10 =	sld [smem:$0x3FB7];
	_ =	sdelay $0x3  }
0x36: {  	p1 =	seq.s32 s10, $0x1;
	s10 =	sld [smem:$0x3FB8];
	_ =	sdelay $0x3  }
0x37: {  	[smem:$0x3FB8] =	sst s10  }
0x38: {  	s10 =	sld [smem:$0x3FB9]  }
0x39: {  	_ = 	snop;
	(pc) =	sbr.ind lr, $3  }
0x3a: {  	_ = 	snop  }
0x3b: {  	_ = 	snop  }
0x3c: {  	p2 =	seq.s32 s10, $0x1;
	s10 =	sld [smem:$0x3FB8]  }
0x3d: {  	_ =	shalt  }
0x3e: {  	_ =	shalt  }
0x3f: {  	_ =	shalt  }
0x40: {  	_ =	shalt  }
0x41: {  	_ =	shalt  }
0x42: {  	_ =	shalt  }
0x43: {  	_ =	shalt  }
0x44: {  	_ =	shalt  }
0x45: {  	_ =	shalt  }
0x46: {  	_ =	shalt  }
0x47: {  	_ =	shalt  }
0x48: {  	_ =	shalt  }
0x49: {  	_ =	shalt  }
0x4a: {  	_ =	shalt  }
0x4b: {  	_ =	shalt  }
0x4c: {  	_ =	shalt  }
0x4d: {  	_ =	shalt  }
0x4e: {  	_ =	shalt  }
0x4f: {  	_ =	shalt  }
0x50: {  	_ =	shalt  }
0x51: {  	_ =	shalt  }
0x52: {  	_ =	shalt  }
0x53: {  	_ =	shalt  }
0x54: {  	_ =	shalt  }
0x55: {  	_ =	shalt  }
0x56: {  	_ =	shalt  }
0x57: {  	_ =	shalt  }
0x58: {  	_ =	shalt  }
0x59: {  	_ =	shalt  }
0x5a: {  	_ =	shalt  }
0x5b: {  	_ =	shalt  }
0x5c: {  	_ =	shalt  }
0x5d: {  	_ =	shalt  }
0x5e: {  	_ =	shalt  }
0x5f: {  	_ =	shalt  }
0x60: {  	_ =	shalt  }
0x61: {  	_ =	shalt  }
0x62: {  	_ =	shalt  }
0x63: {  	_ =	shalt  }
0x64: {  	_ =	shalt  }
0x65: {  	_ =	shalt  }
0x66: {  	_ =	shalt  }
0x67: {  	_ =	shalt  }
0x68: {  	_ =	shalt  }
0x69: {  	_ =	shalt  }
0x6a: {  	_ =	shalt  }
0x6b: {  	_ =	shalt  }
0x6c: {  	_ =	shalt  }
0x6d: {  	_ =	shalt  }
0x6e: {  	_ =	shalt  }
0x6f: {  	_ =	shalt  }
0x70: {  	_ =	shalt  }
0x71: {  	_ =	shalt  }
0x72: {  	_ =	shalt  }
0x73: {  	_ =	shalt  }
0x74: {  	_ =	shalt  }
0x75: {  	_ =	shalt  }
0x76: {  	_ =	shalt  }
0x77: {  	_ =	shalt  }
0x78: {  	_ =	shalt  }
0x79: {  	_ =	shalt  }
0x7a: {  	_ =	shalt  }
0x7b: {  	_ =	shalt  }
0x7c: {  	_ =	shalt  }
0x7d: {  	_ =	shalt  }
0x7e: {  	_ =	shalt  }
0x7f: {  	_ =	shalt  }
0x80: {  	_ =	shalt  }
0x81: {  	_ =	shalt  }
0x82: {  	_ =	shalt  }
0x83: {  	_ =	shalt  }
0x84: {  	_ =	shalt  }
0x85: {  	_ =	shalt  }
0x86: {  	_ =	shalt  }
0x87: {  	_ =	shalt  }
.Lfunc_end0:
.L_simem_size_0:
called_computation_lowered:
.L_overlay_start_0:
0x88: {  	s2 =	sld [smem:$0x3FD9]  }
0x89: {  	s3 =	sld [smem:$0x3FFE];
	_ =	sdelay $0x1  }
0x8a: {  	s1 =	srdreg.scid  }
0x8b: {  	s0 =	sand.u32 $0x1, s1  }
0x8c: {  	s14 =	sshll.u32 s0, $0xA;
	s2 =	sadd.s32 s3, s2  }
0x8d: {  	s2 =	sadd.s32 s2, s14  }
0x8e: {  	[smem:$0x3FC4] =	sst s2  }
0x8f: {  	_ = 	snop  }
0x90: {  	s2 =	sld [smem:$0x3FD0];
	_ =	sdelay $0x2  }
0x91: {  	s4 =	simm.s32 $0xA;
	s5 =	simm.s32 $0x10;
	s15 =	sld [smem:$0x3FC8]  }
0x92: {  	[smem:s5], [sflag:s4] =	dma.local [hbm:s2], $0x1  }
0x93: {  	_ =	swait.eq [sflag:s4], $0x1  }
0x94: {  	[sflag:s4] =	ssyncset.done $0x0  }
0x95: {  	[sflag:s4] =	ssyncadd.s32 $0xFFFFFFFF  }
0x96: {  	s16 =	sld [smem:$0x10];
	(tm) =	ssettm $0x1  }
0x97: {  	s17 =	sld [smem:$0x3FFB];
	_ =	sdelay $0x3  }
0x98: {  	_ =	strace s17  }
0x99: {  	s4 =	sld [smem:$0x3FFC];
	_ =	sdelay $0x3  }
0x9a: {  	_ =	strace s4  }
0x9b: {  	s4 =	sld [smem:$0x3FFD];
	_ =	sdelay $0x3  }
0x9c: {  	_ =	strace s4  }
0x9d: {  	_ =	strace $0x8FFFFFFF  }
0x9e: {  	s18 =	sld [smem:$0x3FDB];
	_ =	sdelay $0x1  }
0x9f: {  	s19 =	simm.s32 $_scs_section_size  }
0xa0: {  	s6 =	simm.s32 $_size__tile_overlayer_lowered;
	s7 =	simm.s32 $_tile_overlayer_lowered  }
0xa1: {  	s22 =	simm.s32 $0x1BFF;
	s21 =	sshll.u32 s7, $0x1;
	s4 =	sadd.s32 s19, s18  }
0xa2: {  	s8 =	simm.s32 $0x0;
	s20 =	sshll.u32 s6, $0x1;
	s6 =	sadd.s32 s21, s4  }
0xa3: {  	[timem:s8], [sflag:s22] =	dma.local [hbm:s6], s20  }
0xa4: {  	_ =	swait.ge [sflag:s22], s20  }
0xa5: {  	s5 =	ssub.s32 $0x0, s20;
	[sflag:s22] =	ssyncset.done $0x0  }
0xa6: {  	[sflag:s22] =	ssyncadd.s32 s5;
	_ =	sdelay $0x1  }
0xa7: {  	s23 =	simm.s32 $0x1B8B  }
0xa8: {  	_ =	swait.ge [sflag:s23], $0x1  }
0xa9: {  	[sflag:s23] =	ssyncset.done $0x0  }
0xaa: {  	s25 =	simm.s32 $0x1B8E;
	s24 =	sld [smem:$0x3FFE];
	[sflag:s23] =	ssyncadd.s32 $0xFFFFFFFF  }
0xab: {  	s26 =	simm.s32 $execute0_lowered;
	[smem:$0x3FD2] =	sst s25  }
0xac: {  	s6 =	sshll.u32 s26, $0x1;
	_ =	strace $0x80000046;
	[dreg:$0x1] =	wrdreg $0xFFFFFFFF  }
0xad: {  	s28 =	simm.s32 $_size_execute0_lowered;
	s4 =	sadd.s32 s4, s6;
	[dreg:$0x0] =	wrdreg $0x0  }
0xae: {  	s6 =	sshll.u32 s28, $0x1;
	[dreg:$0x2] =	wrdreg s4  }
0xaf: {  	[dreg:$0x3] =	wrdreg s6  }
0xb0: {  	[dreg:$0x4] =	wrdreg $0xC0  }
0xb1: {  	_ =	task [dreg:s8], $0x5FFFF  }
0xb2: {  	[dreg:$0x1] =	wrdreg $0xFFFFFFFF  }
0xb3: {  	[dreg:$0x0] =	wrdreg $0x60  }
0xb4: {  	[dreg:$0x2] =	wrdreg s15  }
0xb5: {  	[dreg:$0x3] =	wrdreg s16  }
0xb6: {  	[dreg:$0x4] =	wrdreg s24  }
0xb7: {  	[dreg:$0x5] =	wrdreg $0x9  }
0xb8: {  	_ =	task.clear_ibuf [dreg:s8], $0x6FFFF;
	_ =	strace $0x90000046  }
0xb9: {  	s29 =	simm.s32 $0x9;
	_ =	strace $0x80000048  }
0xba: {  	_ =	swait.ge [sflag:s29], $0x1  }
0xbb: {  	[sflag:s29] =	ssyncadd.s32 $0xFFFFFFFF  }
0xbc: {  	_ =	strace $0x90000048  }
0xbd: {  	_ =	sfence  }
0xbe: {  	s30 =	sld [smem:$0x0];
	_ =	sdelay $0x2  }
0xbf: {  	s31 =	sshll.u32 s1, $0xD;
	s1 =	sshrl.u32 s1, $0x2  }
0xc0: {  	s3 =	sand.u32 $0x4000, s31;
	s1 =	sadd.s32 s1, s30  }
0xc1: {  	s0 =	sor.u32 s3, s0;
	s1 =	sshll.u32 s1, $0x11  }
0xc2: {  	s0 =	sor.u32 s1, s0  }
0xc3: {  	s0 =	sadd.s32 $0x8F2B, s0  }
0xc4: {  	[sflag:s0] =	ssyncadd.remote.s32 $0x1  }
0xc5: {  	_ =	sfence.sel $0xFFFF  }
0xc6: {  	[dreg:$0x0] =	wrdreg $0xFFFFFFFF;
	(pc) =	sbr.abs _section_cstart, $3  }
0xc7: {  	[dreg:$0x1] =	wrdreg $0xFFFFFFFF  }
0xc8: {  	_ =	task.clear_ibuf [dreg:s8], $0x2FFFF;
	_ =	strace $0x9FFFFFFF  }
0xc9: {  	(tm) =	ssettm $0x7FFFFFFF  }
tec
execute0_lowered:
.L_overlay_start_1:
0x0: {  	(tag) =	ssettag $0x1  }
0x1: {  	s2 =	rddreg [dreg:$0x0];
	s0 =	srdreg.scid  }
0x2: {  	s4 =	rddreg [dreg:$0x1];
	s14 =	sand.u32 $0x1, s0  }
0x3: {  	s15 =	rddreg [dreg:$0x2];
	s1 =	stileid.u32;
	s3 =	sshll.u32 s14, $0x4  }
0x4: {  	s0 =	rddreg [dreg:$0x3];
	s5 =	sshll.u32 s1, $0x6;
	s16 =	sor.u32 s1, s3  }
0x5: {  	s5 =	sand.u32 $0x40, s5;
	s3 =	simm.s32 $0x0;
	s6 =	sshll.u32 s16, $0x6  }
0x6: {  	s4 =	sadd.s32 s4, s5;
	[smem:$0x7FF] =	sst s3;
	s6 =	sand.u32 $0x780, s6  }
0x7: {  	_ =	strace $0x80000047;
	s5 =	sadd.s32 s6, s4;
	s4 =	simm.s32 $0x2  }
0x8: {  	[tilespmem:s3], [sflag:$0x2] =	stream.linear.gather [hbm4b:s5+s3], $0x200, $0x38;
	[tilespmem:$0x10200] =	vst v63  }
0x9: {  	_ =	swait.ge [sflag:s4], $0x200  }
0xa: {  	[sflag:s4] =	ssyncset.done $0x0  }
0xb: {  	s7 =	simm.s32 $0x200;
	s6 =	simm.s32 $0x80;
	[sflag:s4] =	ssyncadd.s32 $0xFFFFFE00  }
0xc: {  	[tilespmem:s7], [sflag:$0x1] =	stream.indirect.gather [hbm4b:s2+s6], $0x80, s3, s6, $0xb8;
	[tilespmem:$0x10200] =	vst v63  }
0xd: {  	s8 =	simm.s32 $0x4200  }
0xe: {  	[tilespmem:s8], [sflag:$0x1] =	stream.indirect.gather [hbm4b:s2+s6], $0x80, s6, s6, $0xb8;
	[tilespmem:$0x10200] =	vst v63  }
0xf: {  	s9 =	simm.s32 $0x100;
	s10 =	simm.s32 $0x8200  }
0x10: {  	[tilespmem:s10], [sflag:$0x1] =	stream.indirect.gather [hbm4b:s2+s6], $0x80, s9, s6, $0xb8;
	[tilespmem:$0x10200] =	vst v63  }
0x11: {  	s11 =	simm.s32 $0x180;
	s12 =	simm.s32 $0xC200;
	s13 =	simm.s32 $0x1  }
0x12: {  	[tilespmem:s12], [sflag:$0x1] =	stream.indirect.gather [hbm4b:s2+s6], $0x80, s11, s6, $0xb8;
	[tilespmem:$0x10200] =	vst v63  }
0x13: {  	_ =	swait.ge [sflag:s13], $0x4000  }
0x14: {  	[sflag:s13] =	ssyncset.done $0x0  }
0x15: {  	[sflag:s13] =	ssyncadd.s32 $0xFFFFC000  }
0x16: {  	_ =	swait.ge [sflag:s13], $0x4000  }
0x17: {  	[sflag:s13] =	ssyncset.done $0x0  }
0x18: {  	s14 =	ssub.s32 $0x2, s14;
	[sflag:s13] =	ssyncadd.s32 $0xFFFFC000  }
0x19: {  	s17 =	sshrl.u32 s14, $0x1;
	_ =	swait.ge [sflag:s13], $0x4000  }
0x1a: {  	s30 =	ssub.s32 s14, s17;
	[sflag:s13] =	ssyncset.done $0x0  }
0x1b: {  	s31 =	smax.u32 s30, $0x1;
	[sflag:s13] =	ssyncadd.s32 $0xFFFFC000  }
0x1c: {  	s16 =	sshll.u32 s16, $0xD;
	p0 =	sne.s32 s31, $0x1;
	_ =	swait.ge [sflag:s13], $0x4000  }
.Ltmp0:
0x1d: {  	s15 =	sadd.s32 s16, s15;
	[sflag:s13] =	ssyncset.done $0x0;
	(pc) =	sbr.rel @!p0 .LBB2_2-.Ltmp0, $4  }
0x1e: {  	s14 =	sadd.s32 $0xC00, s15;
	[sflag:s13] =	ssyncadd.s32 $0xFFFFC000  }
0x1f: {  	[hbm4b:s14+s3] =	stream.linear.scatter [tilespmem:s7], [sflag:$0x2], $0x10000, $0x38;
	[tilespmem:$0x10200] =	vst v63  }
0x20: {  	_ =	swait.ge [sflag:s4], $0x10000  }
0x21: {  	s15 =	sadd.s32 $0xFFFFFFFF, s31;
	[sflag:s4] =	ssyncset.done $0x0  }
.LBB2_1:
0x22: {  	p0 =	sne.s32 s15, $0x1;
	s15 =	sadd.s32 $0xFFFFFFFF, s15;
	[sflag:s4] =	ssyncadd.s32 $0xFFFF0000  }
0x23: {  	[tilespmem:s3], [sflag:$0x2] =	stream.linear.gather [hbm4b:s5+s3], $0x200, $0x38;
	[tilespmem:$0x10200] =	vst v63  }
0x24: {  	_ =	swait.ge [sflag:s4], $0x200  }
0x25: {  	[sflag:s4] =	ssyncset.done $0x0  }
0x26: {  	[sflag:s4] =	ssyncadd.s32 $0xFFFFFE00  }
0x27: {  	[tilespmem:s7], [sflag:$0x1] =	stream.indirect.gather [hbm4b:s2+s6], $0x80, s3, s6, $0xb8;
	[tilespmem:$0x10200] =	vst v63  }
0x28: {  	_ = 	snop  }
0x29: {  	[tilespmem:s8], [sflag:$0x1] =	stream.indirect.gather [hbm4b:s2+s6], $0x80, s6, s6, $0xb8;
	[tilespmem:$0x10200] =	vst v63  }
0x2a: {  	_ = 	snop  }
0x2b: {  	[tilespmem:s10], [sflag:$0x1] =	stream.indirect.gather [hbm4b:s2+s6], $0x80, s9, s6, $0xb8;
	[tilespmem:$0x10200] =	vst v63  }
0x2c: {  	_ = 	snop  }
0x2d: {  	[tilespmem:s12], [sflag:$0x1] =	stream.indirect.gather [hbm4b:s2+s6], $0x80, s11, s6, $0xb8;
	[tilespmem:$0x10200] =	vst v63  }
0x2e: {  	_ =	swait.ge [sflag:s13], $0x4000  }
0x2f: {  	[sflag:s13] =	ssyncset.done $0x0  }
0x30: {  	[sflag:s13] =	ssyncadd.s32 $0xFFFFC000  }
0x31: {  	_ =	swait.ge [sflag:s13], $0x4000  }
0x32: {  	[sflag:s13] =	ssyncset.done $0x0  }
0x33: {  	[sflag:s13] =	ssyncadd.s32 $0xFFFFC000  }
0x34: {  	_ =	swait.ge [sflag:s13], $0x4000  }
0x35: {  	[sflag:s13] =	ssyncset.done $0x0  }
0x36: {  	[sflag:s13] =	ssyncadd.s32 $0xFFFFC000  }
0x37: {  	_ =	swait.ge [sflag:s13], $0x4000  }
.Ltmp1:
0x38: {  	[sflag:s13] =	ssyncset.done $0x0;
	(pc) =	sbr.rel @p0 .LBB2_1-.Ltmp1, $4  }
0x39: {  	[sflag:s13] =	ssyncadd.s32 $0xFFFFC000  }
0x3a: {  	[hbm4b:s14+s3] =	stream.linear.scatter [tilespmem:s7], [sflag:$0x2], $0x10000, $0x38;
	[tilespmem:$0x10200] =	vst v63  }
0x3b: {  	_ =	swait.ge [sflag:s4], $0x10000  }
0x3c: {  	[sflag:s4] =	ssyncset.done $0x0  }
.LBB2_2:
0x3d: {  	[sflag:s4] =	ssyncadd.s32 $0xFFFF0000  }
0x3e: {  	_ =	sfence.sel $0x180000  }
0x3f: {  	[bflag:$0x0] =	sbarrier.arrive $0xFFFF  }
0x40: {  	p0 =	sne.s32 s1, $0x0;
	_ =	strace $0x90000047  }
0x41: {  	s0 =	sadd.s32 @!p0 $0x100000, s0;
	[bflag:$0x2] =	sbarrier.arrive $0xFFFF  }
0x42: {  	[sflag:s0] =	ssyncadd.tile.s32 @!p0 $0x1;
	_ =	shalt  }
.Lfunc_end2:
_tile_overlayer_lowered:
.L_overlay_start_2:
0x43: {  	(tag) =	ssettag $0x2  }
0x44: {  	s0 =	rddreg [dreg:$0x0];
	s2 =	stileid.u32  }
0x45: {  	s1 =	rddreg [dreg:$0x1];
	p0 =	sne.s32 s2, $0x0  }
0x46: {  	s3 =	rddreg [dreg:$0x2];
	[bflag:$0x3] =	sbarrier.arrive $0xFFFF;
	s2 =	simm.s32 @!p0 $0x1C02  }
0x47: {  	[timem:s3], [sflag:s2] =	dma.local @!p0 [hbm:s0], s1  }
0x48: {  	s0 =	simm.s32 @!p0 $0x2  }
0x49: {  	_ =	swait.ge @!p0 [sflag:s0], s1  }
0x4a: {  	s1 =	ssub.s32 @!p0 $0x0, s1;
	[sflag:s0] =	ssyncset.done @!p0 $0x0  }
0x4b: {  	[sflag:s0] =	ssyncadd.s32 @!p0 s1  }
0x4c: {  	[bflag:$0x3] =	sbarrier.arrive $0xFFFF  }
0x4d: {  	_ =	shalt  }

</sc_bundles>
